<compile_context>
chip_gen: v7x
topology: tpu7x:2x2x1
jax: 0.10.2.dev20260603
libtpu: 0.0.44.dev20260713+nightly
codegen_flags: <defaults>
</compile_context>

<pallas_src>
import functools

import jax
import jax.numpy as jnp
from jax import lax
from jax.experimental import pallas as pl
from jax.experimental.pallas import tpu as pltpu
from jax.experimental.pallas import tpu_sc as plsc

N = 10000
D = 256
DE = 16
E = 160000

NC = 2
NS = 16
NW = NC * NS
EPW = 5120
E_PAD = NW * EPW
CH = 128
NCH = EPW // CH
N_A = 10240
RPT = N_A // NS
TW = 2 * N_A
UNROLL = CH // 16



def _proj_body(wc_ref, bc_ref, x_ref, we_ref, bm_ref, ea_ref, p_ref, el_ref):
    @pl.when(pl.program_id(0) == 0)
    def _():
        p_ref[...] = lax.dot_general(
            wc_ref[...], x_ref[...], (((0,), (1,)), ((), ())),
            preferred_element_type=jnp.float32) + bc_ref[...]

    el_ref[...] = jnp.dot(we_ref[...], ea_ref[...],
                          preferred_element_type=jnp.float32) + bm_ref[...]


def _proj(wc, bc_t, x, we_t, bm_t, ea_t):
    return pl.pallas_call(
        _proj_body,
        grid=(10,),
        in_specs=[
            pl.BlockSpec((D, 4), lambda i: (0, 0)),
            pl.BlockSpec((4, 1), lambda i: (0, 0)),
            pl.BlockSpec((N, D), lambda i: (0, 0)),
            pl.BlockSpec((2, DE), lambda i: (0, 0)),
            pl.BlockSpec((2, 1), lambda i: (0, 0)),
            pl.BlockSpec((DE, E_PAD // 10), lambda i: (0, i)),
        ],
        out_specs=[
            pl.BlockSpec((4, N), lambda i: (0, 0)),
            pl.BlockSpec((2, E_PAD // 10), lambda i: (0, i)),
        ],
        out_shape=[
            jax.ShapeDtypeStruct((4, N), jnp.float32),
            jax.ShapeDtypeStruct((2, E_PAD), jnp.float32),
        ],
    )(wc, bc_t, x, we_t, bm_t, ea_t)


def _finish_body(p4_ref, p_ref, o_ref):
    p = p_ref[...]
    z0 = p4_ref[pl.ds(0, N)] + p[0, 0, :N] + p[1, 0, :N]
    z1 = p4_ref[pl.ds(N, N)] + p[0, 1, :N] + p[1, 1, :N]
    m = jnp.maximum(z0, z1)
    l = m + jnp.log(jnp.exp(z0 - m) + jnp.exp(z1 - m))
    o_ref[0, :] = z0 - l
    o_ref[1, :] = z1 - l


def _finish(proj_flat, parts):
    return pl.pallas_call(
        _finish_body,
        out_shape=jax.ShapeDtypeStruct((2, N), jnp.float32),
    )(proj_flat, parts)



def _sc_body(proj_hbm, ei_hbm, el_hbm, z_hbm, out_hbm,
             table_v, src_v, dst_v, vals0_v, vals1_v,
             agg0_sh, agg1_sh, sem_in, sem_s):
    cid = lax.axis_index("c")
    sid = lax.axis_index("s")
    wid = cid * NS + sid

    cps = [
        pltpu.async_copy(z_hbm.at[pl.ds(sid * RPT, RPT)],
                         agg0_sh.at[pl.ds(sid * RPT, RPT)], sem_in),
        pltpu.async_copy(z_hbm.at[pl.ds(sid * RPT, RPT)],
                         agg1_sh.at[pl.ds(sid * RPT, RPT)], sem_in),
        pltpu.async_copy(proj_hbm.at[pl.ds(2 * N, N)],
                         table_v.at[pl.ds(0, N)], sem_in),
        pltpu.async_copy(proj_hbm.at[pl.ds(3 * N, N)],
                         table_v.at[pl.ds(N_A, N)], sem_in),
        pltpu.async_copy(ei_hbm.at[0, wid], src_v, sem_in),
        pltpu.async_copy(ei_hbm.at[1, wid], dst_v, sem_in),
        pltpu.async_copy(el_hbm.at[0, pl.ds(wid * EPW, EPW)], vals0_v, sem_in),
        pltpu.async_copy(el_hbm.at[1, pl.ds(wid * EPW, EPW)], vals1_v, sem_in),
    ]
    for c in cps:
        c.wait()
    plsc.subcore_barrier()

    def chunk(j, carry):
        for k in range(UNROLL):
            s16 = src_v[j, pl.ds(k * 16, 16)]
            g0 = plsc.load_gather(table_v, [s16])
            g1 = plsc.load_gather(table_v, [s16 + N_A])
            i = j * UNROLL + k
            vals0_v[pl.ds(i * 16, 16)] = vals0_v[pl.ds(i * 16, 16)] + g0
            vals1_v[pl.ds(i * 16, 16)] = vals1_v[pl.ds(i * 16, 16)] + g1
        pltpu.async_copy(vals0_v.at[pl.ds(j * CH, CH)],
                         agg0_sh.at[dst_v.at[j]], sem_s, add=True)
        pltpu.async_copy(vals1_v.at[pl.ds(j * CH, CH)],
                         agg1_sh.at[dst_v.at[j]], sem_s, add=True)
        return carry

    lax.fori_loop(0, NCH, chunk, 0)

    pltpu.make_async_copy(el_hbm.at[0, pl.ds(wid * EPW, EPW)],
                          vals0_v, sem_s).wait()
    pltpu.make_async_copy(el_hbm.at[1, pl.ds(wid * EPW, EPW)],
                          vals1_v, sem_s).wait()
    plsc.subcore_barrier()

    pltpu.sync_copy(agg0_sh.at[pl.ds(sid * RPT, RPT)],
                    out_hbm.at[cid, 0, pl.ds(sid * RPT, RPT)])
    pltpu.sync_copy(agg1_sh.at[pl.ds(sid * RPT, RPT)],
                    out_hbm.at[cid, 1, pl.ds(sid * RPT, RPT)])


@functools.cache
def _sc_agg_kernel():
    return pl.kernel(
        _sc_body,
        out_type=jax.ShapeDtypeStruct((NC, 2, N_A), jnp.float32),
        mesh=plsc.VectorSubcoreMesh(core_axis_name="c", subcore_axis_name="s",
                                    num_cores=NC, num_subcores=NS),
        compiler_params=pltpu.CompilerParams(needs_layout_passes=False),
        scratch_types=[
            pltpu.VMEM((TW,), jnp.float32),
            pltpu.VMEM((NCH, CH), jnp.int32),
            pltpu.VMEM((NCH, CH), jnp.int32),
            pltpu.VMEM((EPW,), jnp.float32),
            pltpu.VMEM((EPW,), jnp.float32),
            pltpu.VMEM_SHARED((N_A,), jnp.float32),
            pltpu.VMEM_SHARED((N_A,), jnp.float32),
            pltpu.SemaphoreType.DMA,
            pltpu.SemaphoreType.DMA,
        ],
    )



def kernel(x, edge_index, edge_attr, W_node, b_node, W_msg, b_msg):
    ei = edge_index.astype(jnp.int32)
    ei_pad = jnp.pad(ei, ((0, 0), (0, E_PAD - E)),
                     constant_values=N).reshape(2, NW, NCH, CH)

    wc = jnp.concatenate([W_node, W_msg[:D]], axis=1)
    bc_t = jnp.concatenate([b_node, jnp.zeros((2,), jnp.float32)])[:, None]
    proj_t, el_t = _proj(wc, bc_t, x, W_msg[D:].T, b_msg[:, None],
                         edge_attr.T)
    proj_flat = jnp.reshape(proj_t, (4 * N,))

    zeros_na = jnp.zeros((N_A,), jnp.float32)

    parts = _sc_agg_kernel()(proj_flat, ei_pad, el_t, zeros_na)
    return _finish(proj_flat, parts).T

# --- scband reference (transcript-rebuilt; emitter-appended) ---
"""Pipeline reference for scband-model-message-72756745994773 (READ-ONLY COPY).

The authoritative reference and input builder live on the scoring server;
editing this copy changes nothing except your own understanding.
"""

import jax, jax.numpy as jnp
import numpy as np

N_NODES = 10000
N_EDGES = 160000
D_FEAT = 256
D_EDGE = 16
OUT_NODE = 2
OUT_MSG = 2


def setup_inputs(seed: int = 0) -> dict:
    key = jax.random.key(seed)
    k1, k2, k3, k4, k5, k6, k7 = jax.random.split(key, 7)
    x = jax.random.normal(k1, (N_NODES, D_FEAT), dtype=jnp.float32)
    edge_index = jax.random.randint(k2, (2, N_EDGES), 0, N_NODES, dtype=jnp.int64)
    edge_attr = jax.random.normal(k3, (N_EDGES, D_EDGE), dtype=jnp.float32)
    # Edge_GCNConv learned parameters (out_channels_node_features=2, out_channels_message=2)
    W_node = jax.random.normal(k4, (D_FEAT, OUT_NODE), dtype=jnp.float32) * (1.0 / np.sqrt(D_FEAT))
    b_node = jnp.zeros((OUT_NODE,), dtype=jnp.float32)
    W_msg = jax.random.normal(k5, (D_FEAT + D_EDGE, OUT_MSG), dtype=jnp.float32) * (1.0 / np.sqrt(D_FEAT + D_EDGE))
    b_msg = jnp.zeros((OUT_MSG,), dtype=jnp.float32)
    return {"x": x, "edge_index": edge_index, "edge_attr": edge_attr,
            "W_node": W_node, "b_node": b_node, "W_msg": W_msg, "b_msg": b_msg}


def reference(x, edge_index, edge_attr, W_node, b_node, W_msg, b_msg):
    # Edge_GCNConv: messages built from source-node features concatenated with edge attrs,
    # linearly projected to out_channels_message, scatter-summed at destination nodes,
    # then combined with the node's own linear transform (matching out channels = 2).
    src = edge_index[0]
    dst = edge_index[1]
    x_src = jnp.take(x, src, axis=0)                       # gather [E, D_FEAT]
    msg_in = jnp.concatenate([x_src, edge_attr], axis=1)   # [E, D_FEAT + D_EDGE]
    msg = msg_in @ W_msg + b_msg                           # [E, OUT_MSG]
    agg = jax.ops.segment_sum(msg, dst, num_segments=x.shape[0])  # scatter-add [N, OUT_MSG]
    node_feat = x @ W_node + b_node                        # [N, OUT_NODE]
    node_with_message = node_feat + agg
    # ModelMessage.forward: F.log_softmax(..., dim=1)
    return jax.nn.log_softmax(node_with_message, axis=1)

if __name__ == "__main__":
    import jax
    _d = setup_inputs()
    print(jax.jit(kernel)(*tuple(_d.values())))

</pallas_src>

<mosaic_0001>
#map = affine_map<(d0, d1) -> (0)>
#map1 = affine_map<(d0, d1) -> (0, 0, 0, 0)>
#map2 = affine_map<(d0, d1) -> (0, 0)>
#map3 = affine_map<(d0, d1) -> (0, 0, 0)>
module attributes {stable_mosaic.version = 14 : i64} {
  func.func @_sc_body(%arg0: i32, %arg1: i32, %arg2: memref<40000xf32, #tpu.memory_space<hbm>>, %arg3: memref<2x32x40x128xi32, #tpu.memory_space<hbm>>, %arg4: memref<2x163840xf32, #tpu.memory_space<hbm>>, %arg5: memref<10240xf32, #tpu.memory_space<hbm>>, %arg6: memref<2x2x10240xf32, #tpu.memory_space<hbm>>, %arg7: memref<20480xf32, #tpu.memory_space<vmem>>, %arg8: memref<40x128xi32, #tpu.memory_space<vmem>>, %arg9: memref<40x128xi32, #tpu.memory_space<vmem>>, %arg10: memref<5120xf32, #tpu.memory_space<vmem>>, %arg11: memref<5120xf32, #tpu.memory_space<vmem>>, %arg12: memref<10240xf32, #tpu.memory_space<vmem_shared>>, %arg13: memref<10240xf32, #tpu.memory_space<vmem_shared>>, %arg14: memref<!tpu.dma_semaphore, #tpu.memory_space<semaphore_mem>>, %arg15: memref<!tpu.dma_semaphore, #tpu.memory_space<semaphore_mem>>) attributes {dimension_semantics = [#tpu.dimension_semantics<core_parallel>, #tpu.dimension_semantics<subcore_parallel>], iteration_bounds = array<i64: 2, 16>, scalar_prefetch = 0 : i64, scratch_operands = 9 : i64, tpu.core_type = #tpu.core_type<sc_vector_subcore>, window_params = [{transform_indices = #map}, {transform_indices = #map1}, {transform_indices = #map2}, {transform_indices = #map}, {transform_indices = #map3}]} {
    %mul3A = arith.constant 16 : i32
    %mul3A_0 = arith.muli %arg0, %mul3A : i32
    %add3A = arith.addi %mul3A_0, %arg1 : i32
    %mul3A_1 = arith.constant 640 : i32
    %mul3A_2 = arith.muli %arg1, %mul3A_1 : i32
    %mul3A_3 = arith.constant 640 : i32
    %mul3A_4 = arith.muli %arg1, %mul3A_3 : i32
    %dma_start3A = tpu.memref_slice %arg12[%mul3A_4] : memref<10240xf32, #tpu.memory_space<vmem_shared>> -> memref<640xf32, #tpu.memory_space<vmem_shared>>
    %dma_start3A_5 = tpu.memref_slice %arg5[%mul3A_2] : memref<10240xf32, #tpu.memory_space<hbm>> -> memref<640xf32, #tpu.memory_space<hbm>>
    tpu.enqueue_dma source(%dma_start3A_5 : memref<640xf32, #tpu.memory_space<hbm>>) target(%dma_start3A : memref<640xf32, #tpu.memory_space<vmem_shared>>) target_semaphore(%arg14 : memref<!tpu.dma_semaphore, #tpu.memory_space<semaphore_mem>>)
    %mul3A_6 = arith.constant 640 : i32
    %mul3A_7 = arith.muli %arg1, %mul3A_6 : i32
    %mul3A_8 = arith.constant 640 : i32
    %mul3A_9 = arith.muli %arg1, %mul3A_8 : i32
    %dma_start3A_10 = tpu.memref_slice %arg13[%mul3A_9] : memref<10240xf32, #tpu.memory_space<vmem_shared>> -> memref<640xf32, #tpu.memory_space<vmem_shared>>
    %dma_start3A_11 = tpu.memref_slice %arg5[%mul3A_7] : memref<10240xf32, #tpu.memory_space<hbm>> -> memref<640xf32, #tpu.memory_space<hbm>>
    tpu.enqueue_dma source(%dma_start3A_11 : memref<640xf32, #tpu.memory_space<hbm>>) target(%dma_start3A_10 : memref<640xf32, #tpu.memory_space<vmem_shared>>) target_semaphore(%arg14 : memref<!tpu.dma_semaphore, #tpu.memory_space<semaphore_mem>>)
    %dma_start3A_12 = arith.constant 0 : i32
    %dma_start3A_13 = tpu.memref_slice %arg7[%dma_start3A_12] : memref<20480xf32, #tpu.memory_space<vmem>> -> memref<10000xf32, #tpu.memory_space<vmem>>
    %dma_start3A_14 = arith.constant 20000 : i32
    %dma_start3A_15 = tpu.memref_slice %arg2[%dma_start3A_14] : memref<40000xf32, #tpu.memory_space<hbm>> -> memref<10000xf32, #tpu.memory_space<hbm>>
    %dma_start3A_16 = arith.constant 0 : i32
    %dma_start3A_17 = tpu.memref_slice %arg7[%dma_start3A_16] : memref<20480xf32, #tpu.memory_space<vmem>> -> memref<10000xf32, #tpu.memory_space<vmem>>
    %dma_start3A_18 = arith.constant 20000 : i32
    %dma_start3A_19 = tpu.memref_slice %arg2[%dma_start3A_18] : memref<40000xf32, #tpu.memory_space<hbm>> -> memref<10000xf32, #tpu.memory_space<hbm>>
    tpu.enqueue_dma source(%dma_start3A_19 : memref<10000xf32, #tpu.memory_space<hbm>>) target(%dma_start3A_17 : memref<10000xf32, #tpu.memory_space<vmem>>) target_semaphore(%arg14 : memref<!tpu.dma_semaphore, #tpu.memory_space<semaphore_mem>>)
    %dma_start3A_20 = arith.constant 10240 : i32
    %dma_start3A_21 = tpu.memref_slice %arg7[%dma_start3A_20] : memref<20480xf32, #tpu.memory_space<vmem>> -> memref<10000xf32, #tpu.memory_space<vmem>>
    %dma_start3A_22 = arith.constant 30000 : i32
    %dma_start3A_23 = tpu.memref_slice %arg2[%dma_start3A_22] : memref<40000xf32, #tpu.memory_space<hbm>> -> memref<10000xf32, #tpu.memory_space<hbm>>
    %dma_start3A_24 = arith.constant 10240 : i32
    %dma_start3A_25 = tpu.memref_slice %arg7[%dma_start3A_24] : memref<20480xf32, #tpu.memory_space<vmem>> -> memref<10000xf32, #tpu.memory_space<vmem>>
    %dma_start3A_26 = arith.constant 30000 : i32
    %dma_start3A_27 = tpu.memref_slice %arg2[%dma_start3A_26] : memref<40000xf32, #tpu.memory_space<hbm>> -> memref<10000xf32, #tpu.memory_space<hbm>>
    tpu.enqueue_dma source(%dma_start3A_27 : memref<10000xf32, #tpu.memory_space<hbm>>) target(%dma_start3A_25 : memref<10000xf32, #tpu.memory_space<vmem>>) target_semaphore(%arg14 : memref<!tpu.dma_semaphore, #tpu.memory_space<semaphore_mem>>)
    %dma_start3A_28 = arith.constant 0 : i32
    %dma_start3A_29 = arith.constant 0 : i32
    %dma_start3A_30 = arith.constant 0 : i32
    %dma_start3A_31 = tpu.memref_slice %arg3[%dma_start3A_28, %add3A, %dma_start3A_29, %dma_start3A_30] : memref<2x32x40x128xi32, #tpu.memory_space<hbm>> -> memref<1x1x40x128xi32, #tpu.memory_space<hbm>>
    %dma_start3A_32 = tpu.memref_squeeze %dma_start3A_31 : memref<1x1x40x128xi32, #tpu.memory_space<hbm>> -> memref<40x128xi32, #tpu.memory_space<hbm>>
    %dma_start3A_33 = arith.constant 0 : i32
    %dma_start3A_34 = arith.constant 0 : i32
    %dma_start3A_35 = tpu.memref_slice %arg3[%dma_start3A_28, %add3A, %dma_start3A_33, %dma_start3A_34] : memref<2x32x40x128xi32, #tpu.memory_space<hbm>> -> memref<1x1x40x128xi32, #tpu.memory_space<hbm>>
    %dma_start3A_36 = tpu.memref_squeeze %dma_start3A_35 : memref<1x1x40x128xi32, #tpu.memory_space<hbm>> -> memref<40x128xi32, #tpu.memory_space<hbm>>
    tpu.enqueue_dma source(%dma_start3A_36 : memref<40x128xi32, #tpu.memory_space<hbm>>) target(%arg8 : memref<40x128xi32, #tpu.memory_space<vmem>>) target_semaphore(%arg14 : memref<!tpu.dma_semaphore, #tpu.memory_space<semaphore_mem>>)
    %dma_start3A_37 = arith.constant 1 : i32
    %dma_start3A_38 = arith.constant 0 : i32
    %dma_start3A_39 = arith.constant 0 : i32
    %dma_start3A_40 = tpu.memref_slice %arg3[%dma_start3A_37, %add3A, %dma_start3A_38, %dma_start3A_39] : memref<2x32x40x128xi32, #tpu.memory_space<hbm>> -> memref<1x1x40x128xi32, #tpu.memory_space<hbm>>
    %dma_start3A_41 = tpu.memref_squeeze %dma_start3A_40 : memref<1x1x40x128xi32, #tpu.memory_space<hbm>> -> memref<40x128xi32, #tpu.memory_space<hbm>>
    %dma_start3A_42 = arith.constant 0 : i32
    %dma_start3A_43 = arith.constant 0 : i32
    %dma_start3A_44 = tpu.memref_slice %arg3[%dma_start3A_37, %add3A, %dma_start3A_42, %dma_start3A_43] : memref<2x32x40x128xi32, #tpu.memory_space<hbm>> -> memref<1x1x40x128xi32, #tpu.memory_space<hbm>>
    %dma_start3A_45 = tpu.memref_squeeze %dma_start3A_44 : memref<1x1x40x128xi32, #tpu.memory_space<hbm>> -> memref<40x128xi32, #tpu.memory_space<hbm>>
    tpu.enqueue_dma source(%dma_start3A_45 : memref<40x128xi32, #tpu.memory_space<hbm>>) target(%arg9 : memref<40x128xi32, #tpu.memory_space<vmem>>) target_semaphore(%arg14 : memref<!tpu.dma_semaphore, #tpu.memory_space<semaphore_mem>>)
    %mul3A_46 = arith.constant 5120 : i32
    %mul3A_47 = arith.muli %add3A, %mul3A_46 : i32
    %dma_start3A_48 = arith.constant 0 : i32
    %dma_start3A_49 = tpu.memref_slice %arg4[%dma_start3A_48, %mul3A_47] : memref<2x163840xf32, #tpu.memory_space<hbm>> -> memref<1x5120xf32, #tpu.memory_space<hbm>>
    %dma_start3A_50 = tpu.memref_squeeze %dma_start3A_49 : memref<1x5120xf32, #tpu.memory_space<hbm>> -> memref<5120xf32, #tpu.memory_space<hbm>>
    %dma_start3A_51 = tpu.memref_slice %arg4[%dma_start3A_48, %mul3A_47] : memref<2x163840xf32, #tpu.memory_space<hbm>> -> memref<1x5120xf32, #tpu.memory_space<hbm>>
    %dma_start3A_52 = tpu.memref_squeeze %dma_start3A_51 : memref<1x5120xf32, #tpu.memory_space<hbm>> -> memref<5120xf32, #tpu.memory_space<hbm>>
    tpu.enqueue_dma source(%dma_start3A_52 : memref<5120xf32, #tpu.memory_space<hbm>>) target(%arg10 : memref<5120xf32, #tpu.memory_space<vmem>>) target_semaphore(%arg14 : memref<!tpu.dma_semaphore, #tpu.memory_space<semaphore_mem>>)
    %mul3A_53 = arith.constant 5120 : i32
    %mul3A_54 = arith.muli %add3A, %mul3A_53 : i32
    %dma_start3A_55 = arith.constant 1 : i32
    %dma_start3A_56 = tpu.memref_slice %arg4[%dma_start3A_55, %mul3A_54] : memref<2x163840xf32, #tpu.memory_space<hbm>> -> memref<1x5120xf32, #tpu.memory_space<hbm>>
    %dma_start3A_57 = tpu.memref_squeeze %dma_start3A_56 : memref<1x5120xf32, #tpu.memory_space<hbm>> -> memref<5120xf32, #tpu.memory_space<hbm>>
    %dma_start3A_58 = tpu.memref_slice %arg4[%dma_start3A_55, %mul3A_54] : memref<2x163840xf32, #tpu.memory_space<hbm>> -> memref<1x5120xf32, #tpu.memory_space<hbm>>
    %dma_start3A_59 = tpu.memref_squeeze %dma_start3A_58 : memref<1x5120xf32, #tpu.memory_space<hbm>> -> memref<5120xf32, #tpu.memory_space<hbm>>
    tpu.enqueue_dma source(%dma_start3A_59 : memref<5120xf32, #tpu.memory_space<hbm>>) target(%arg11 : memref<5120xf32, #tpu.memory_space<vmem>>) target_semaphore(%arg14 : memref<!tpu.dma_semaphore, #tpu.memory_space<semaphore_mem>>)
    %dma_wait3A = tpu.memref_slice %arg12[%mul3A_4] : memref<10240xf32, #tpu.memory_space<vmem_shared>> -> memref<640xf32, #tpu.memory_space<vmem_shared>>
    %dma_wait3A_60 = tpu.memref_slice %arg5[%mul3A_2] : memref<10240xf32, #tpu.memory_space<hbm>> -> memref<640xf32, #tpu.memory_space<hbm>>
    tpu.wait_dma2 semaphore(%arg14 : memref<!tpu.dma_semaphore, #tpu.memory_space<semaphore_mem>>) src(%dma_wait3A_60 : memref<640xf32, #tpu.memory_space<hbm>>) dst(%dma_wait3A : memref<640xf32, #tpu.memory_space<vmem_shared>>)
    %dma_wait3A_61 = tpu.memref_slice %arg13[%mul3A_9] : memref<10240xf32, #tpu.memory_space<vmem_shared>> -> memref<640xf32, #tpu.memory_space<vmem_shared>>
    %dma_wait3A_62 = tpu.memref_slice %arg5[%mul3A_7] : memref<10240xf32, #tpu.memory_space<hbm>> -> memref<640xf32, #tpu.memory_space<hbm>>
    tpu.wait_dma2 semaphore(%arg14 : memref<!tpu.dma_semaphore, #tpu.memory_space<semaphore_mem>>) src(%dma_wait3A_62 : memref<640xf32, #tpu.memory_space<hbm>>) dst(%dma_wait3A_61 : memref<640xf32, #tpu.memory_space<vmem_shared>>)
    %dma_wait3A_63 = arith.constant 0 : i32
    %dma_wait3A_64 = tpu.memref_slice %arg7[%dma_wait3A_63] : memref<20480xf32, #tpu.memory_space<vmem>> -> memref<10000xf32, #tpu.memory_space<vmem>>
    %dma_wait3A_65 = arith.constant 20000 : i32
    %dma_wait3A_66 = tpu.memref_slice %arg2[%dma_wait3A_65] : memref<40000xf32, #tpu.memory_space<hbm>> -> memref<10000xf32, #tpu.memory_space<hbm>>
    %dma_wait3A_67 = arith.constant 0 : i32
    %dma_wait3A_68 = tpu.memref_slice %arg7[%dma_wait3A_67] : memref<20480xf32, #tpu.memory_space<vmem>> -> memref<10000xf32, #tpu.memory_space<vmem>>
    %dma_wait3A_69 = arith.constant 20000 : i32
    %dma_wait3A_70 = tpu.memref_slice %arg2[%dma_wait3A_69] : memref<40000xf32, #tpu.memory_space<hbm>> -> memref<10000xf32, #tpu.memory_space<hbm>>
    tpu.wait_dma2 semaphore(%arg14 : memref<!tpu.dma_semaphore, #tpu.memory_space<semaphore_mem>>) src(%dma_wait3A_70 : memref<10000xf32, #tpu.memory_space<hbm>>) dst(%dma_wait3A_68 : memref<10000xf32, #tpu.memory_space<vmem>>)
    %dma_wait3A_71 = arith.constant 10240 : i32
    %dma_wait3A_72 = tpu.memref_slice %arg7[%dma_wait3A_71] : memref<20480xf32, #tpu.memory_space<vmem>> -> memref<10000xf32, #tpu.memory_space<vmem>>
    %dma_wait3A_73 = arith.constant 30000 : i32
    %dma_wait3A_74 = tpu.memref_slice %arg2[%dma_wait3A_73] : memref<40000xf32, #tpu.memory_space<hbm>> -> memref<10000xf32, #tpu.memory_space<hbm>>
    %dma_wait3A_75 = arith.constant 10240 : i32
    %dma_wait3A_76 = tpu.memref_slice %arg7[%dma_wait3A_75] : memref<20480xf32, #tpu.memory_space<vmem>> -> memref<10000xf32, #tpu.memory_space<vmem>>
    %dma_wait3A_77 = arith.constant 30000 : i32
    %dma_wait3A_78 = tpu.memref_slice %arg2[%dma_wait3A_77] : memref<40000xf32, #tpu.memory_space<hbm>> -> memref<10000xf32, #tpu.memory_space<hbm>>
    tpu.wait_dma2 semaphore(%arg14 : memref<!tpu.dma_semaphore, #tpu.memory_space<semaphore_mem>>) src(%dma_wait3A_78 : memref<10000xf32, #tpu.memory_space<hbm>>) dst(%dma_wait3A_76 : memref<10000xf32, #tpu.memory_space<vmem>>)
    %dma_wait3A_79 = arith.constant 0 : i32
    %dma_wait3A_80 = arith.constant 0 : i32
    %dma_wait3A_81 = arith.constant 0 : i32
    %dma_wait3A_82 = tpu.memref_slice %arg3[%dma_wait3A_79, %add3A, %dma_wait3A_80, %dma_wait3A_81] : memref<2x32x40x128xi32, #tpu.memory_space<hbm>> -> memref<1x1x40x128xi32, #tpu.memory_space<hbm>>
    %dma_wait3A_83 = tpu.memref_squeeze %dma_wait3A_82 : memref<1x1x40x128xi32, #tpu.memory_space<hbm>> -> memref<40x128xi32, #tpu.memory_space<hbm>>
    %dma_wait3A_84 = arith.constant 0 : i32
    %dma_wait3A_85 = arith.constant 0 : i32
    %dma_wait3A_86 = tpu.memref_slice %arg3[%dma_wait3A_79, %add3A, %dma_wait3A_84, %dma_wait3A_85] : memref<2x32x40x128xi32, #tpu.memory_space<hbm>> -> memref<1x1x40x128xi32, #tpu.memory_space<hbm>>
    %dma_wait3A_87 = tpu.memref_squeeze %dma_wait3A_86 : memref<1x1x40x128xi32, #tpu.memory_space<hbm>> -> memref<40x128xi32, #tpu.memory_space<hbm>>
    tpu.wait_dma2 semaphore(%arg14 : memref<!tpu.dma_semaphore, #tpu.memory_space<semaphore_mem>>) src(%dma_wait3A_87 : memref<40x128xi32, #tpu.memory_space<hbm>>) dst(%arg8 : memref<40x128xi32, #tpu.memory_space<vmem>>)
    %dma_wait3A_88 = arith.constant 1 : i32
    %dma_wait3A_89 = arith.constant 0 : i32
    %dma_wait3A_90 = arith.constant 0 : i32
    %dma_wait3A_91 = tpu.memref_slice %arg3[%dma_wait3A_88, %add3A, %dma_wait3A_89, %dma_wait3A_90] : memref<2x32x40x128xi32, #tpu.memory_space<hbm>> -> memref<1x1x40x128xi32, #tpu.memory_space<hbm>>
    %dma_wait3A_92 = tpu.memref_squeeze %dma_wait3A_91 : memref<1x1x40x128xi32, #tpu.memory_space<hbm>> -> memref<40x128xi32, #tpu.memory_space<hbm>>
    %dma_wait3A_93 = arith.constant 0 : i32
    %dma_wait3A_94 = arith.constant 0 : i32
    %dma_wait3A_95 = tpu.memref_slice %arg3[%dma_wait3A_88, %add3A, %dma_wait3A_93, %dma_wait3A_94] : memref<2x32x40x128xi32, #tpu.memory_space<hbm>> -> memref<1x1x40x128xi32, #tpu.memory_space<hbm>>
    %dma_wait3A_96 = tpu.memref_squeeze %dma_wait3A_95 : memref<1x1x40x128xi32, #tpu.memory_space<hbm>> -> memref<40x128xi32, #tpu.memory_space<hbm>>
    tpu.wait_dma2 semaphore(%arg14 : memref<!tpu.dma_semaphore, #tpu.memory_space<semaphore_mem>>) src(%dma_wait3A_96 : memref<40x128xi32, #tpu.memory_space<hbm>>) dst(%arg9 : memref<40x128xi32, #tpu.memory_space<vmem>>)
    %dma_wait3A_97 = arith.constant 0 : i32
    %dma_wait3A_98 = tpu.memref_slice %arg4[%dma_wait3A_97, %mul3A_47] : memref<2x163840xf32, #tpu.memory_space<hbm>> -> memref<1x5120xf32, #tpu.memory_space<hbm>>
    %dma_wait3A_99 = tpu.memref_squeeze %dma_wait3A_98 : memref<1x5120xf32, #tpu.memory_space<hbm>> -> memref<5120xf32, #tpu.memory_space<hbm>>
    %dma_wait3A_100 = tpu.memref_slice %arg4[%dma_wait3A_97, %mul3A_47] : memref<2x163840xf32, #tpu.memory_space<hbm>> -> memref<1x5120xf32, #tpu.memory_space<hbm>>
    %dma_wait3A_101 = tpu.memref_squeeze %dma_wait3A_100 : memref<1x5120xf32, #tpu.memory_space<hbm>> -> memref<5120xf32, #tpu.memory_space<hbm>>
    tpu.wait_dma2 semaphore(%arg14 : memref<!tpu.dma_semaphore, #tpu.memory_space<semaphore_mem>>) src(%dma_wait3A_101 : memref<5120xf32, #tpu.memory_space<hbm>>) dst(%arg10 : memref<5120xf32, #tpu.memory_space<vmem>>)
    %dma_wait3A_102 = arith.constant 1 : i32
    %dma_wait3A_103 = tpu.memref_slice %arg4[%dma_wait3A_102, %mul3A_54] : memref<2x163840xf32, #tpu.memory_space<hbm>> -> memref<1x5120xf32, #tpu.memory_space<hbm>>
    %dma_wait3A_104 = tpu.memref_squeeze %dma_wait3A_103 : memref<1x5120xf32, #tpu.memory_space<hbm>> -> memref<5120xf32, #tpu.memory_space<hbm>>
    %dma_wait3A_105 = tpu.memref_slice %arg4[%dma_wait3A_102, %mul3A_54] : memref<2x163840xf32, #tpu.memory_space<hbm>> -> memref<1x5120xf32, #tpu.memory_space<hbm>>
    %dma_wait3A_106 = tpu.memref_squeeze %dma_wait3A_105 : memref<1x5120xf32, #tpu.memory_space<hbm>> -> memref<5120xf32, #tpu.memory_space<hbm>>
    tpu.wait_dma2 semaphore(%arg14 : memref<!tpu.dma_semaphore, #tpu.memory_space<semaphore_mem>>) src(%dma_wait3A_106 : memref<5120xf32, #tpu.memory_space<hbm>>) dst(%arg11 : memref<5120xf32, #tpu.memory_space<vmem>>)
    %barrier3A = arith.constant 0 : index
    tpu.barrier barrier_id(%barrier3A)
    %scan3A = arith.constant 0 : i32
    %scan3A_107 = arith.constant 0 : i32
    %scan3A_108 = arith.constant 40 : i32
    %scan3A_109 = arith.addi %scan3A_107, %scan3A_108 : i32
    %scan3A_110 = arith.constant 1 : i32
    scf.for %scan3A_136 = %scan3A_107 to %scan3A_109 step %scan3A_110  : i32 {
      %get3A = arith.index_cast %scan3A_136 : i32 to index
      %get3A_137 = arith.constant 0 : index
      %get3A_138 = tpu.vector_load %arg8[%get3A, %get3A_137] {strides = array<i32>} : memref<40x128xi32, #tpu.memory_space<vmem>>, vector<16xi32>,
      %gather3A = tpu.vector_load_idx %arg7[%get3A_138] : memref<20480xf32, #tpu.memory_space<vmem>>[vector<16xi32>], vector<16xf32>,
      %add3A_139 = arith.constant 10240 : i32
      %add3A_140 = vector.broadcast %add3A_139 : i32 to vector<16xi32>
      %add3A_141 = arith.addi %get3A_138, %add3A_140 : vector<16xi32>
      %gather3A_142 = tpu.vector_load_idx %arg7[%add3A_141] : memref<20480xf32, #tpu.memory_space<vmem>>[vector<16xi32>], vector<16xf32>,
      %mul3A_143 = arith.constant 8 : i32
      %mul3A_144 = arith.muli %scan3A_136, %mul3A_143 : i32
      %add3A_145 = arith.constant 0 : i32
      %add3A_146 = arith.addi %mul3A_144, %add3A_145 : i32
      %mul3A_147 = arith.constant 16 : i32
      %mul3A_148 = arith.muli %add3A_146, %mul3A_147 : i32
      %get3A_149 = arith.index_cast %mul3A_148 : i32 to index
      %get3A_150 = tpu.vector_load %arg10[%get3A_149] {strides = array<i32>} : memref<5120xf32, #tpu.memory_space<vmem>>, vector<16xf32>,
      %add3A_151 = arith.addf %get3A_150, %gather3A : vector<16xf32>
      %mul3A_152 = arith.constant 16 : i32
      %mul3A_153 = arith.muli %add3A_146, %mul3A_152 : i32
      %swap3A = arith.index_cast %mul3A_153 : i32 to index
      %swap3A_154 = tpu.vector_load %arg10[%swap3A] {strides = array<i32>} : memref<5120xf32, #tpu.memory_space<vmem>>, vector<16xf32>,
      tpu.vector_store %arg10[%swap3A], %add3A_151 {strides = array<i32>} : memref<5120xf32, #tpu.memory_space<vmem>>, vector<16xf32>,
      %mul3A_155 = arith.constant 16 : i32
      %mul3A_156 = arith.muli %add3A_146, %mul3A_155 : i32
      %get3A_157 = arith.index_cast %mul3A_156 : i32 to index
      %get3A_158 = tpu.vector_load %arg11[%get3A_157] {strides = array<i32>} : memref<5120xf32, #tpu.memory_space<vmem>>, vector<16xf32>,
      %add3A_159 = arith.addf %get3A_158, %gather3A_142 : vector<16xf32>
      %mul3A_160 = arith.constant 16 : i32
      %mul3A_161 = arith.muli %add3A_146, %mul3A_160 : i32
      %swap3A_162 = arith.index_cast %mul3A_161 : i32 to index
      %swap3A_163 = tpu.vector_load %arg11[%swap3A_162] {strides = array<i32>} : memref<5120xf32, #tpu.memory_space<vmem>>, vector<16xf32>,
      tpu.vector_store %arg11[%swap3A_162], %add3A_159 {strides = array<i32>} : memref<5120xf32, #tpu.memory_space<vmem>>, vector<16xf32>,
      %get3A_164 = arith.index_cast %scan3A_136 : i32 to index
      %get3A_165 = arith.constant 16 : index
      %get3A_166 = tpu.vector_load %arg8[%get3A_164, %get3A_165] {strides = array<i32>} : memref<40x128xi32, #tpu.memory_space<vmem>>, vector<16xi32>,
      %gather3A_167 = tpu.vector_load_idx %arg7[%get3A_166] : memref<20480xf32, #tpu.memory_space<vmem>>[vector<16xi32>], vector<16xf32>,
      %add3A_168 = arith.constant 10240 : i32
      %add3A_169 = vector.broadcast %add3A_168 : i32 to vector<16xi32>
      %add3A_170 = arith.addi %get3A_166, %add3A_169 : vector<16xi32>
      %gather3A_171 = tpu.vector_load_idx %arg7[%add3A_170] : memref<20480xf32, #tpu.memory_space<vmem>>[vector<16xi32>], vector<16xf32>,
      %mul3A_172 = arith.constant 8 : i32
      %mul3A_173 = arith.muli %scan3A_136, %mul3A_172 : i32
      %add3A_174 = arith.constant 1 : i32
      %add3A_175 = arith.addi %mul3A_173, %add3A_174 : i32
      %mul3A_176 = arith.constant 16 : i32
      %mul3A_177 = arith.muli %add3A_175, %mul3A_176 : i32
      %get3A_178 = arith.index_cast %mul3A_177 : i32 to index
      %get3A_179 = tpu.vector_load %arg10[%get3A_178] {strides = array<i32>} : memref<5120xf32, #tpu.memory_space<vmem>>, vector<16xf32>,
      %add3A_180 = arith.addf %get3A_179, %gather3A_167 : vector<16xf32>
      %mul3A_181 = arith.constant 16 : i32
      %mul3A_182 = arith.muli %add3A_175, %mul3A_181 : i32
      %swap3A_183 = arith.index_cast %mul3A_182 : i32 to index
      %swap3A_184 = tpu.vector_load %arg10[%swap3A_183] {strides = array<i32>} : memref<5120xf32, #tpu.memory_space<vmem>>, vector<16xf32>,
      tpu.vector_store %arg10[%swap3A_183], %add3A_180 {strides = array<i32>} : memref<5120xf32, #tpu.memory_space<vmem>>, vector<16xf32>,
      %mul3A_185 = arith.constant 16 : i32
      %mul3A_186 = arith.muli %add3A_175, %mul3A_185 : i32
      %get3A_187 = arith.index_cast %mul3A_186 : i32 to index
      %get3A_188 = tpu.vector_load %arg11[%get3A_187] {strides = array<i32>} : memref<5120xf32, #tpu.memory_space<vmem>>, vector<16xf32>,
      %add3A_189 = arith.addf %get3A_188, %gather3A_171 : vector<16xf32>
      %mul3A_190 = arith.constant 16 : i32
      %mul3A_191 = arith.muli %add3A_175, %mul3A_190 : i32
      %swap3A_192 = arith.index_cast %mul3A_191 : i32 to index
      %swap3A_193 = tpu.vector_load %arg11[%swap3A_192] {strides = array<i32>} : memref<5120xf32, #tpu.memory_space<vmem>>, vector<16xf32>,
      tpu.vector_store %arg11[%swap3A_192], %add3A_189 {strides = array<i32>} : memref<5120xf32, #tpu.memory_space<vmem>>, vector<16xf32>,
      %get3A_194 = arith.index_cast %scan3A_136 : i32 to index
      %get3A_195 = arith.constant 32 : index
      %get3A_196 = tpu.vector_load %arg8[%get3A_194, %get3A_195] {strides = array<i32>} : memref<40x128xi32, #tpu.memory_space<vmem>>, vector<16xi32>,
      %gather3A_197 = tpu.vector_load_idx %arg7[%get3A_196] : memref<20480xf32, #tpu.memory_space<vmem>>[vector<16xi32>], vector<16xf32>,
      %add3A_198 = arith.constant 10240 : i32
      %add3A_199 = vector.broadcast %add3A_198 : i32 to vector<16xi32>
      %add3A_200 = arith.addi %get3A_196, %add3A_199 : vector<16xi32>
      %gather3A_201 = tpu.vector_load_idx %arg7[%add3A_200] : memref<20480xf32, #tpu.memory_space<vmem>>[vector<16xi32>], vector<16xf32>,
      %mul3A_202 = arith.constant 8 : i32
      %mul3A_203 = arith.muli %scan3A_136, %mul3A_202 : i32
      %add3A_204 = arith.constant 2 : i32
      %add3A_205 = arith.addi %mul3A_203, %add3A_204 : i32
      %mul3A_206 = arith.constant 16 : i32
      %mul3A_207 = arith.muli %add3A_205, %mul3A_206 : i32
      %get3A_208 = arith.index_cast %mul3A_207 : i32 to index
      %get3A_209 = tpu.vector_load %arg10[%get3A_208] {strides = array<i32>} : memref<5120xf32, #tpu.memory_space<vmem>>, vector<16xf32>,
      %add3A_210 = arith.addf %get3A_209, %gather3A_197 : vector<16xf32>
      %mul3A_211 = arith.constant 16 : i32
      %mul3A_212 = arith.muli %add3A_205, %mul3A_211 : i32
      %swap3A_213 = arith.index_cast %mul3A_212 : i32 to index
      %swap3A_214 = tpu.vector_load %arg10[%swap3A_213] {strides = array<i32>} : memref<5120xf32, #tpu.memory_space<vmem>>, vector<16xf32>,
      tpu.vector_store %arg10[%swap3A_213], %add3A_210 {strides = array<i32>} : memref<5120xf32, #tpu.memory_space<vmem>>, vector<16xf32>,
      %mul3A_215 = arith.constant 16 : i32
      %mul3A_216 = arith.muli %add3A_205, %mul3A_215 : i32
      %get3A_217 = arith.index_cast %mul3A_216 : i32 to index
      %get3A_218 = tpu.vector_load %arg11[%get3A_217] {strides = array<i32>} : memref<5120xf32, #tpu.memory_space<vmem>>, vector<16xf32>,
      %add3A_219 = arith.addf %get3A_218, %gather3A_201 : vector<16xf32>
      %mul3A_220 = arith.constant 16 : i32
      %mul3A_221 = arith.muli %add3A_205, %mul3A_220 : i32
      %swap3A_222 = arith.index_cast %mul3A_221 : i32 to index
      %swap3A_223 = tpu.vector_load %arg11[%swap3A_222] {strides = array<i32>} : memref<5120xf32, #tpu.memory_space<vmem>>, vector<16xf32>,
      tpu.vector_store %arg11[%swap3A_222], %add3A_219 {strides = array<i32>} : memref<5120xf32, #tpu.memory_space<vmem>>, vector<16xf32>,
      %get3A_224 = arith.index_cast %scan3A_136 : i32 to index
      %get3A_225 = arith.constant 48 : index
      %get3A_226 = tpu.vector_load %arg8[%get3A_224, %get3A_225] {strides = array<i32>} : memref<40x128xi32, #tpu.memory_space<vmem>>, vector<16xi32>,
      %gather3A_227 = tpu.vector_load_idx %arg7[%get3A_226] : memref<20480xf32, #tpu.memory_space<vmem>>[vector<16xi32>], vector<16xf32>,
      %add3A_228 = arith.constant 10240 : i32
      %add3A_229 = vector.broadcast %add3A_228 : i32 to vector<16xi32>
      %add3A_230 = arith.addi %get3A_226, %add3A_229 : vector<16xi32>
      %gather3A_231 = tpu.vector_load_idx %arg7[%add3A_230] : memref<20480xf32, #tpu.memory_space<vmem>>[vector<16xi32>], vector<16xf32>,
      %mul3A_232 = arith.constant 8 : i32
      %mul3A_233 = arith.muli %scan3A_136, %mul3A_232 : i32
      %add3A_234 = arith.constant 3 : i32
      %add3A_235 = arith.addi %mul3A_233, %add3A_234 : i32
      %mul3A_236 = arith.constant 16 : i32
      %mul3A_237 = arith.muli %add3A_235, %mul3A_236 : i32
      %get3A_238 = arith.index_cast %mul3A_237 : i32 to index
      %get3A_239 = tpu.vector_load %arg10[%get3A_238] {strides = array<i32>} : memref<5120xf32, #tpu.memory_space<vmem>>, vector<16xf32>,
      %add3A_240 = arith.addf %get3A_239, %gather3A_227 : vector<16xf32>
      %mul3A_241 = arith.constant 16 : i32
      %mul3A_242 = arith.muli %add3A_235, %mul3A_241 : i32
      %swap3A_243 = arith.index_cast %mul3A_242 : i32 to index
      %swap3A_244 = tpu.vector_load %arg10[%swap3A_243] {strides = array<i32>} : memref<5120xf32, #tpu.memory_space<vmem>>, vector<16xf32>,
      tpu.vector_store %arg10[%swap3A_243], %add3A_240 {strides = array<i32>} : memref<5120xf32, #tpu.memory_space<vmem>>, vector<16xf32>,
      %mul3A_245 = arith.constant 16 : i32
      %mul3A_246 = arith.muli %add3A_235, %mul3A_245 : i32
      %get3A_247 = arith.index_cast %mul3A_246 : i32 to index
      %get3A_248 = tpu.vector_load %arg11[%get3A_247] {strides = array<i32>} : memref<5120xf32, #tpu.memory_space<vmem>>, vector<16xf32>,
      %add3A_249 = arith.addf %get3A_248, %gather3A_231 : vector<16xf32>
      %mul3A_250 = arith.constant 16 : i32
      %mul3A_251 = arith.muli %add3A_235, %mul3A_250 : i32
      %swap3A_252 = arith.index_cast %mul3A_251 : i32 to index
      %swap3A_253 = tpu.vector_load %arg11[%swap3A_252] {strides = array<i32>} : memref<5120xf32, #tpu.memory_space<vmem>>, vector<16xf32>,
      tpu.vector_store %arg11[%swap3A_252], %add3A_249 {strides = array<i32>} : memref<5120xf32, #tpu.memory_space<vmem>>, vector<16xf32>,
      %get3A_254 = arith.index_cast %scan3A_136 : i32 to index
      %get3A_255 = arith.constant 64 : index
      %get3A_256 = tpu.vector_load %arg8[%get3A_254, %get3A_255] {strides = array<i32>} : memref<40x128xi32, #tpu.memory_space<vmem>>, vector<16xi32>,
      %gather3A_257 = tpu.vector_load_idx %arg7[%get3A_256] : memref<20480xf32, #tpu.memory_space<vmem>>[vector<16xi32>], vector<16xf32>,
      %add3A_258 = arith.constant 10240 : i32
      %add3A_259 = vector.broadcast %add3A_258 : i32 to vector<16xi32>
      %add3A_260 = arith.addi %get3A_256, %add3A_259 : vector<16xi32>
      %gather3A_261 = tpu.vector_load_idx %arg7[%add3A_260] : memref<20480xf32, #tpu.memory_space<vmem>>[vector<16xi32>], vector<16xf32>,
      %mul3A_262 = arith.constant 8 : i32
      %mul3A_263 = arith.muli %scan3A_136, %mul3A_262 : i32
      %add3A_264 = arith.constant 4 : i32
      %add3A_265 = arith.addi %mul3A_263, %add3A_264 : i32
      %mul3A_266 = arith.constant 16 : i32
      %mul3A_267 = arith.muli %add3A_265, %mul3A_266 : i32
      %get3A_268 = arith.index_cast %mul3A_267 : i32 to index
      %get3A_269 = tpu.vector_load %arg10[%get3A_268] {strides = array<i32>} : memref<5120xf32, #tpu.memory_space<vmem>>, vector<16xf32>,
      %add3A_270 = arith.addf %get3A_269, %gather3A_257 : vector<16xf32>
      %mul3A_271 = arith.constant 16 : i32
      %mul3A_272 = arith.muli %add3A_265, %mul3A_271 : i32
      %swap3A_273 = arith.index_cast %mul3A_272 : i32 to index
      %swap3A_274 = tpu.vector_load %arg10[%swap3A_273] {strides = array<i32>} : memref<5120xf32, #tpu.memory_space<vmem>>, vector<16xf32>,
      tpu.vector_store %arg10[%swap3A_273], %add3A_270 {strides = array<i32>} : memref<5120xf32, #tpu.memory_space<vmem>>, vector<16xf32>,
      %mul3A_275 = arith.constant 16 : i32
      %mul3A_276 = arith.muli %add3A_265, %mul3A_275 : i32
      %get3A_277 = arith.index_cast %mul3A_276 : i32 to index
      %get3A_278 = tpu.vector_load %arg11[%get3A_277] {strides = array<i32>} : memref<5120xf32, #tpu.memory_space<vmem>>, vector<16xf32>,
      %add3A_279 = arith.addf %get3A_278, %gather3A_261 : vector<16xf32>
      %mul3A_280 = arith.constant 16 : i32
      %mul3A_281 = arith.muli %add3A_265, %mul3A_280 : i32
      %swap3A_282 = arith.index_cast %mul3A_281 : i32 to index
      %swap3A_283 = tpu.vector_load %arg11[%swap3A_282] {strides = array<i32>} : memref<5120xf32, #tpu.memory_space<vmem>>, vector<16xf32>,
      tpu.vector_store %arg11[%swap3A_282], %add3A_279 {strides = array<i32>} : memref<5120xf32, #tpu.memory_space<vmem>>, vector<16xf32>,
      %get3A_284 = arith.index_cast %scan3A_136 : i32 to index
      %get3A_285 = arith.constant 80 : index
      %get3A_286 = tpu.vector_load %arg8[%get3A_284, %get3A_285] {strides = array<i32>} : memref<40x128xi32, #tpu.memory_space<vmem>>, vector<16xi32>,
      %gather3A_287 = tpu.vector_load_idx %arg7[%get3A_286] : memref<20480xf32, #tpu.memory_space<vmem>>[vector<16xi32>], vector<16xf32>,
      %add3A_288 = arith.constant 10240 : i32
      %add3A_289 = vector.broadcast %add3A_288 : i32 to vector<16xi32>
      %add3A_290 = arith.addi %get3A_286, %add3A_289 : vector<16xi32>
      %gather3A_291 = tpu.vector_load_idx %arg7[%add3A_290] : memref<20480xf32, #tpu.memory_space<vmem>>[vector<16xi32>], vector<16xf32>,
      %mul3A_292 = arith.constant 8 : i32
      %mul3A_293 = arith.muli %scan3A_136, %mul3A_292 : i32
      %add3A_294 = arith.constant 5 : i32
      %add3A_295 = arith.addi %mul3A_293, %add3A_294 : i32
      %mul3A_296 = arith.constant 16 : i32
      %mul3A_297 = arith.muli %add3A_295, %mul3A_296 : i32
      %get3A_298 = arith.index_cast %mul3A_297 : i32 to index
      %get3A_299 = tpu.vector_load %arg10[%get3A_298] {strides = array<i32>} : memref<5120xf32, #tpu.memory_space<vmem>>, vector<16xf32>,
      %add3A_300 = arith.addf %get3A_299, %gather3A_287 : vector<16xf32>
      %mul3A_301 = arith.constant 16 : i32
      %mul3A_302 = arith.muli %add3A_295, %mul3A_301 : i32
      %swap3A_303 = arith.index_cast %mul3A_302 : i32 to index
      %swap3A_304 = tpu.vector_load %arg10[%swap3A_303] {strides = array<i32>} : memref<5120xf32, #tpu.memory_space<vmem>>, vector<16xf32>,
      tpu.vector_store %arg10[%swap3A_303], %add3A_300 {strides = array<i32>} : memref<5120xf32, #tpu.memory_space<vmem>>, vector<16xf32>,
      %mul3A_305 = arith.constant 16 : i32
      %mul3A_306 = arith.muli %add3A_295, %mul3A_305 : i32
      %get3A_307 = arith.index_cast %mul3A_306 : i32 to index
      %get3A_308 = tpu.vector_load %arg11[%get3A_307] {strides = array<i32>} : memref<5120xf32, #tpu.memory_space<vmem>>, vector<16xf32>,
      %add3A_309 = arith.addf %get3A_308, %gather3A_291 : vector<16xf32>
      %mul3A_310 = arith.constant 16 : i32
      %mul3A_311 = arith.muli %add3A_295, %mul3A_310 : i32
      %swap3A_312 = arith.index_cast %mul3A_311 : i32 to index
      %swap3A_313 = tpu.vector_load %arg11[%swap3A_312] {strides = array<i32>} : memref<5120xf32, #tpu.memory_space<vmem>>, vector<16xf32>,
      tpu.vector_store %arg11[%swap3A_312], %add3A_309 {strides = array<i32>} : memref<5120xf32, #tpu.memory_space<vmem>>, vector<16xf32>,
      %get3A_314 = arith.index_cast %scan3A_136 : i32 to index
      %get3A_315 = arith.constant 96 : index
      %get3A_316 = tpu.vector_load %arg8[%get3A_314, %get3A_315] {strides = array<i32>} : memref<40x128xi32, #tpu.memory_space<vmem>>, vector<16xi32>,
      %gather3A_317 = tpu.vector_load_idx %arg7[%get3A_316] : memref<20480xf32, #tpu.memory_space<vmem>>[vector<16xi32>], vector<16xf32>,
      %add3A_318 = arith.constant 10240 : i32
      %add3A_319 = vector.broadcast %add3A_318 : i32 to vector<16xi32>
      %add3A_320 = arith.addi %get3A_316, %add3A_319 : vector<16xi32>
      %gather3A_321 = tpu.vector_load_idx %arg7[%add3A_320] : memref<20480xf32, #tpu.memory_space<vmem>>[vector<16xi32>], vector<16xf32>,
      %mul3A_322 = arith.constant 8 : i32
      %mul3A_323 = arith.muli %scan3A_136, %mul3A_322 : i32
      %add3A_324 = arith.constant 6 : i32
      %add3A_325 = arith.addi %mul3A_323, %add3A_324 : i32
      %mul3A_326 = arith.constant 16 : i32
      %mul3A_327 = arith.muli %add3A_325, %mul3A_326 : i32
      %get3A_328 = arith.index_cast %mul3A_327 : i32 to index
      %get3A_329 = tpu.vector_load %arg10[%get3A_328] {strides = array<i32>} : memref<5120xf32, #tpu.memory_space<vmem>>, vector<16xf32>,
      %add3A_330 = arith.addf %get3A_329, %gather3A_317 : vector<16xf32>
      %mul3A_331 = arith.constant 16 : i32
      %mul3A_332 = arith.muli %add3A_325, %mul3A_331 : i32
      %swap3A_333 = arith.index_cast %mul3A_332 : i32 to index
      %swap3A_334 = tpu.vector_load %arg10[%swap3A_333] {strides = array<i32>} : memref<5120xf32, #tpu.memory_space<vmem>>, vector<16xf32>,
      tpu.vector_store %arg10[%swap3A_333], %add3A_330 {strides = array<i32>} : memref<5120xf32, #tpu.memory_space<vmem>>, vector<16xf32>,
      %mul3A_335 = arith.constant 16 : i32
      %mul3A_336 = arith.muli %add3A_325, %mul3A_335 : i32
      %get3A_337 = arith.index_cast %mul3A_336 : i32 to index
      %get3A_338 = tpu.vector_load %arg11[%get3A_337] {strides = array<i32>} : memref<5120xf32, #tpu.memory_space<vmem>>, vector<16xf32>,
      %add3A_339 = arith.addf %get3A_338, %gather3A_321 : vector<16xf32>
      %mul3A_340 = arith.constant 16 : i32
      %mul3A_341 = arith.muli %add3A_325, %mul3A_340 : i32
      %swap3A_342 = arith.index_cast %mul3A_341 : i32 to index
      %swap3A_343 = tpu.vector_load %arg11[%swap3A_342] {strides = array<i32>} : memref<5120xf32, #tpu.memory_space<vmem>>, vector<16xf32>,
      tpu.vector_store %arg11[%swap3A_342], %add3A_339 {strides = array<i32>} : memref<5120xf32, #tpu.memory_space<vmem>>, vector<16xf32>,
      %get3A_344 = arith.index_cast %scan3A_136 : i32 to index
      %get3A_345 = arith.constant 112 : index
      %get3A_346 = tpu.vector_load %arg8[%get3A_344, %get3A_345] {strides = array<i32>} : memref<40x128xi32, #tpu.memory_space<vmem>>, vector<16xi32>,
      %gather3A_347 = tpu.vector_load_idx %arg7[%get3A_346] : memref<20480xf32, #tpu.memory_space<vmem>>[vector<16xi32>], vector<16xf32>,
      %add3A_348 = arith.constant 10240 : i32
      %add3A_349 = vector.broadcast %add3A_348 : i32 to vector<16xi32>
      %add3A_350 = arith.addi %get3A_346, %add3A_349 : vector<16xi32>
      %gather3A_351 = tpu.vector_load_idx %arg7[%add3A_350] : memref<20480xf32, #tpu.memory_space<vmem>>[vector<16xi32>], vector<16xf32>,
      %mul3A_352 = arith.constant 8 : i32
      %mul3A_353 = arith.muli %scan3A_136, %mul3A_352 : i32
      %add3A_354 = arith.constant 7 : i32
      %add3A_355 = arith.addi %mul3A_353, %add3A_354 : i32
      %mul3A_356 = arith.constant 16 : i32
      %mul3A_357 = arith.muli %add3A_355, %mul3A_356 : i32
      %get3A_358 = arith.index_cast %mul3A_357 : i32 to index
      %get3A_359 = tpu.vector_load %arg10[%get3A_358] {strides = array<i32>} : memref<5120xf32, #tpu.memory_space<vmem>>, vector<16xf32>,
      %add3A_360 = arith.addf %get3A_359, %gather3A_347 : vector<16xf32>
      %mul3A_361 = arith.constant 16 : i32
      %mul3A_362 = arith.muli %add3A_355, %mul3A_361 : i32
      %swap3A_363 = arith.index_cast %mul3A_362 : i32 to index
      %swap3A_364 = tpu.vector_load %arg10[%swap3A_363] {strides = array<i32>} : memref<5120xf32, #tpu.memory_space<vmem>>, vector<16xf32>,
      tpu.vector_store %arg10[%swap3A_363], %add3A_360 {strides = array<i32>} : memref<5120xf32, #tpu.memory_space<vmem>>, vector<16xf32>,
      %mul3A_365 = arith.constant 16 : i32
      %mul3A_366 = arith.muli %add3A_355, %mul3A_365 : i32
      %get3A_367 = arith.index_cast %mul3A_366 : i32 to index
      %get3A_368 = tpu.vector_load %arg11[%get3A_367] {strides = array<i32>} : memref<5120xf32, #tpu.memory_space<vmem>>, vector<16xf32>,
      %add3A_369 = arith.addf %get3A_368, %gather3A_351 : vector<16xf32>
      %mul3A_370 = arith.constant 16 : i32
      %mul3A_371 = arith.muli %add3A_355, %mul3A_370 : i32
      %swap3A_372 = arith.index_cast %mul3A_371 : i32 to index
      %swap3A_373 = tpu.vector_load %arg11[%swap3A_372] {strides = array<i32>} : memref<5120xf32, #tpu.memory_space<vmem>>, vector<16xf32>,
      tpu.vector_store %arg11[%swap3A_372], %add3A_369 {strides = array<i32>} : memref<5120xf32, #tpu.memory_space<vmem>>, vector<16xf32>,
      %mul3A_374 = arith.constant 128 : i32
      %mul3A_375 = arith.muli %scan3A_136, %mul3A_374 : i32
      %dma_start3A_376 = tpu.memref_slice %arg10[%mul3A_375] : memref<5120xf32, #tpu.memory_space<vmem>> -> memref<128xf32, #tpu.memory_space<vmem>>
      %dma_start3A_377 = arith.constant 0 : i32
      %dma_start3A_378 = tpu.memref_slice %arg9[%scan3A_136, %dma_start3A_377] : memref<40x128xi32, #tpu.memory_space<vmem>> -> memref<1x128xi32, #tpu.memory_space<vmem>>
      %dma_start3A_379 = tpu.memref_squeeze %dma_start3A_378 : memref<1x128xi32, #tpu.memory_space<vmem>> -> memref<128xi32, #tpu.memory_space<vmem>>
      %dma_start3A_380 = arith.constant 0 : i32
      %dma_start3A_381 = tpu.memref_slice %arg12[%dma_start3A_380] : memref<10240xf32, #tpu.memory_space<vmem_shared>> -> memref<10240xf32, #tpu.memory_space<vmem_shared>>
      tpu.enqueue_indirect_dma source(%dma_start3A_376 : memref<128xf32, #tpu.memory_space<vmem>>) target(%dma_start3A_381 : memref<10240xf32, #tpu.memory_space<vmem_shared>>) offsets(%dma_start3A_379 : memref<128xi32, #tpu.memory_space<vmem>>) semaphore(%arg15 : memref<!tpu.dma_semaphore, #tpu.memory_space<semaphore_mem>>) {add = true}
      %mul3A_382 = arith.constant 128 : i32
      %mul3A_383 = arith.muli %scan3A_136, %mul3A_382 : i32
      %dma_start3A_384 = tpu.memref_slice %arg11[%mul3A_383] : memref<5120xf32, #tpu.memory_space<vmem>> -> memref<128xf32, #tpu.memory_space<vmem>>
      %dma_start3A_385 = arith.constant 0 : i32
      %dma_start3A_386 = tpu.memref_slice %arg9[%scan3A_136, %dma_start3A_385] : memref<40x128xi32, #tpu.memory_space<vmem>> -> memref<1x128xi32, #tpu.memory_space<vmem>>
      %dma_start3A_387 = tpu.memref_squeeze %dma_start3A_386 : memref<1x128xi32, #tpu.memory_space<vmem>> -> memref<128xi32, #tpu.memory_space<vmem>>
      %dma_start3A_388 = arith.constant 0 : i32
      %dma_start3A_389 = tpu.memref_slice %arg13[%dma_start3A_388] : memref<10240xf32, #tpu.memory_space<vmem_shared>> -> memref<10240xf32, #tpu.memory_space<vmem_shared>>
      tpu.enqueue_indirect_dma source(%dma_start3A_384 : memref<128xf32, #tpu.memory_space<vmem>>) target(%dma_start3A_389 : memref<10240xf32, #tpu.memory_space<vmem_shared>>) offsets(%dma_start3A_387 : memref<128xi32, #tpu.memory_space<vmem>>) semaphore(%arg15 : memref<!tpu.dma_semaphore, #tpu.memory_space<semaphore_mem>>) {add = true}
    }
    %scan3A_111 = arith.constant 40 : i32
    %mul3A_112 = arith.constant 5120 : i32
    %mul3A_113 = arith.muli %add3A, %mul3A_112 : i32
    %dma_wait3A_114 = arith.constant 0 : i32
    %dma_wait3A_115 = tpu.memref_slice %arg4[%dma_wait3A_114, %mul3A_113] : memref<2x163840xf32, #tpu.memory_space<hbm>> -> memref<1x5120xf32, #tpu.memory_space<hbm>>
    %dma_wait3A_116 = tpu.memref_squeeze %dma_wait3A_115 : memref<1x5120xf32, #tpu.memory_space<hbm>> -> memref<5120xf32, #tpu.memory_space<hbm>>
    %dma_wait3A_117 = tpu.memref_slice %arg4[%dma_wait3A_114, %mul3A_113] : memref<2x163840xf32, #tpu.memory_space<hbm>> -> memref<1x5120xf32, #tpu.memory_space<hbm>>
    %dma_wait3A_118 = tpu.memref_squeeze %dma_wait3A_117 : memref<1x5120xf32, #tpu.memory_space<hbm>> -> memref<5120xf32, #tpu.memory_space<hbm>>
    tpu.wait_dma2 semaphore(%arg15 : memref<!tpu.dma_semaphore, #tpu.memory_space<semaphore_mem>>) src(%dma_wait3A_118 : memref<5120xf32, #tpu.memory_space<hbm>>) dst(%arg10 : memref<5120xf32, #tpu.memory_space<vmem>>)
    %mul3A_119 = arith.constant 5120 : i32
    %mul3A_120 = arith.muli %add3A, %mul3A_119 : i32
    %dma_wait3A_121 = arith.constant 1 : i32
    %dma_wait3A_122 = tpu.memref_slice %arg4[%dma_wait3A_121, %mul3A_120] : memref<2x163840xf32, #tpu.memory_space<hbm>> -> memref<1x5120xf32, #tpu.memory_space<hbm>>
    %dma_wait3A_123 = tpu.memref_squeeze %dma_wait3A_122 : memref<1x5120xf32, #tpu.memory_space<hbm>> -> memref<5120xf32, #tpu.memory_space<hbm>>
    %dma_wait3A_124 = tpu.memref_slice %arg4[%dma_wait3A_121, %mul3A_120] : memref<2x163840xf32, #tpu.memory_space<hbm>> -> memref<1x5120xf32, #tpu.memory_space<hbm>>
    %dma_wait3A_125 = tpu.memref_squeeze %dma_wait3A_124 : memref<1x5120xf32, #tpu.memory_space<hbm>> -> memref<5120xf32, #tpu.memory_space<hbm>>
    tpu.wait_dma2 semaphore(%arg15 : memref<!tpu.dma_semaphore, #tpu.memory_space<semaphore_mem>>) src(%dma_wait3A_125 : memref<5120xf32, #tpu.memory_space<hbm>>) dst(%arg11 : memref<5120xf32, #tpu.memory_space<vmem>>)
    %barrier3A_126 = arith.constant 0 : index
    tpu.barrier barrier_id(%barrier3A_126)
    %mul3A_127 = arith.constant 640 : i32
    %mul3A_128 = arith.muli %arg1, %mul3A_127 : i32
    %mul3A_129 = arith.constant 640 : i32
    %mul3A_130 = arith.muli %arg1, %mul3A_129 : i32
    %run_scoped3A = arith.constant 0 : i32
    "tpu.region"() ({
      %run_scoped3A_136 = tpu.sem_alloc : memref<!tpu.dma_semaphore, #tpu.memory_space<semaphore_mem>>
      %dma_start3A_137 = tpu.memref_slice %arg6[%arg0, %run_scoped3A, %mul3A_130] : memref<2x2x10240xf32, #tpu.memory_space<hbm>> -> memref<1x1x640xf32, #tpu.memory_space<hbm>>
      %dma_start3A_138 = tpu.memref_squeeze %dma_start3A_137 : memref<1x1x640xf32, #tpu.memory_space<hbm>> -> memref<640xf32, #tpu.memory_space<hbm>>
      %dma_start3A_139 = tpu.memref_slice %arg12[%mul3A_128] : memref<10240xf32, #tpu.memory_space<vmem_shared>> -> memref<640xf32, #tpu.memory_space<vmem_shared>>
      tpu.enqueue_dma source(%dma_start3A_139 : memref<640xf32, #tpu.memory_space<vmem_shared>>) target(%dma_start3A_138 : memref<640xf32, #tpu.memory_space<hbm>>) target_semaphore(%run_scoped3A_136 : memref<!tpu.dma_semaphore, #tpu.memory_space<semaphore_mem>>)
      %dma_wait3A_140 = tpu.memref_slice %arg6[%arg0, %run_scoped3A, %mul3A_130] : memref<2x2x10240xf32, #tpu.memory_space<hbm>> -> memref<1x1x640xf32, #tpu.memory_space<hbm>>
      %dma_wait3A_141 = tpu.memref_squeeze %dma_wait3A_140 : memref<1x1x640xf32, #tpu.memory_space<hbm>> -> memref<640xf32, #tpu.memory_space<hbm>>
      %dma_wait3A_142 = tpu.memref_slice %arg12[%mul3A_128] : memref<10240xf32, #tpu.memory_space<vmem_shared>> -> memref<640xf32, #tpu.memory_space<vmem_shared>>
      tpu.wait_dma2 semaphore(%run_scoped3A_136 : memref<!tpu.dma_semaphore, #tpu.memory_space<semaphore_mem>>) src(%dma_wait3A_142 : memref<640xf32, #tpu.memory_space<vmem_shared>>) dst(%dma_wait3A_141 : memref<640xf32, #tpu.memory_space<hbm>>)
      tpu.yield
    }) : () -> ()
    %mul3A_131 = arith.constant 640 : i32
    %mul3A_132 = arith.muli %arg1, %mul3A_131 : i32
    %mul3A_133 = arith.constant 640 : i32
    %mul3A_134 = arith.muli %arg1, %mul3A_133 : i32
    %run_scoped3A_135 = arith.constant 1 : i32
    "tpu.region"() ({
      %run_scoped3A_136 = tpu.sem_alloc : memref<!tpu.dma_semaphore, #tpu.memory_space<semaphore_mem>>
      %dma_start3A_137 = tpu.memref_slice %arg6[%arg0, %run_scoped3A_135, %mul3A_134] : memref<2x2x10240xf32, #tpu.memory_space<hbm>> -> memref<1x1x640xf32, #tpu.memory_space<hbm>>
      %dma_start3A_138 = tpu.memref_squeeze %dma_start3A_137 : memref<1x1x640xf32, #tpu.memory_space<hbm>> -> memref<640xf32, #tpu.memory_space<hbm>>
      %dma_start3A_139 = tpu.memref_slice %arg13[%mul3A_132] : memref<10240xf32, #tpu.memory_space<vmem_shared>> -> memref<640xf32, #tpu.memory_space<vmem_shared>>
      tpu.enqueue_dma source(%dma_start3A_139 : memref<640xf32, #tpu.memory_space<vmem_shared>>) target(%dma_start3A_138 : memref<640xf32, #tpu.memory_space<hbm>>) target_semaphore(%run_scoped3A_136 : memref<!tpu.dma_semaphore, #tpu.memory_space<semaphore_mem>>)
      %dma_wait3A_140 = tpu.memref_slice %arg6[%arg0, %run_scoped3A_135, %mul3A_134] : memref<2x2x10240xf32, #tpu.memory_space<hbm>> -> memref<1x1x640xf32, #tpu.memory_space<hbm>>
      %dma_wait3A_141 = tpu.memref_squeeze %dma_wait3A_140 : memref<1x1x640xf32, #tpu.memory_space<hbm>> -> memref<640xf32, #tpu.memory_space<hbm>>
      %dma_wait3A_142 = tpu.memref_slice %arg13[%mul3A_132] : memref<10240xf32, #tpu.memory_space<vmem_shared>> -> memref<640xf32, #tpu.memory_space<vmem_shared>>
      tpu.wait_dma2 semaphore(%run_scoped3A_136 : memref<!tpu.dma_semaphore, #tpu.memory_space<semaphore_mem>>) src(%dma_wait3A_142 : memref<640xf32, #tpu.memory_space<vmem_shared>>) dst(%dma_wait3A_141 : memref<640xf32, #tpu.memory_space<hbm>>)
      tpu.yield
    }) : () -> ()
    return
  }
}

module attributes {stable_mosaic.version = 14 : i64} {
  func.func @_proj_body(%arg0: i32, %arg1: memref<256x4xf32, #tpu.memory_space<vmem>>, %arg2: memref<4x1xf32, #tpu.memory_space<vmem>>, %arg3: memref<10000x256xf32, #tpu.memory_space<vmem>>, %arg4: memref<2x16xf32, #tpu.memory_space<vmem>>, %arg5: memref<2x1xf32, #tpu.memory_space<vmem>>, %arg6: memref<16x16384xf32, #tpu.memory_space<vmem>>, %arg7: memref<4x10000xf32, #tpu.memory_space<vmem>>, %arg8: memref<2x16384xf32, #tpu.memory_space<vmem>>) attributes {dimension_semantics = [#tpu.dimension_semantics<arbitrary>], iteration_bounds = array<i64: 10>, scalar_prefetch = 0 : i64, scratch_operands = 0 : i64, tpu.core_type = #tpu.core_type<tc>, window_params = [{pipeline_mode = #tpu.pipeline_mode<synchronous>, transform_indices = @transform_0, window_bounds = array<i64: 256, 4>}, {pipeline_mode = #tpu.pipeline_mode<synchronous>, transform_indices = @transform_1, window_bounds = array<i64: 4, 1>}, {pipeline_mode = #tpu.pipeline_mode<synchronous>, transform_indices = @transform_2, window_bounds = array<i64: 10000, 256>}, {pipeline_mode = #tpu.pipeline_mode<synchronous>, transform_indices = @transform_3, window_bounds = array<i64: 2, 16>}, {pipeline_mode = #tpu.pipeline_mode<synchronous>, transform_indices = @transform_4, window_bounds = array<i64: 2, 1>}, {transform_indices = @transform_5, window_bounds = array<i64: 16, 16384>}, {pipeline_mode = #tpu.pipeline_mode<synchronous>, transform_indices = @transform_6, window_bounds = array<i64: 4, 10000>}, {transform_indices = @transform_7, window_bounds = array<i64: 2, 16384>}]} {
    %eq3A = arith.constant 0 : i32
    %eq3A_0 = arith.cmpi eq, %arg0, %eq3A : i32
    %convert_element_type3A = arith.extui %eq3A_0 : i1 to i32
    %cond3A = arith.constant 0 : i32
    %cond3A_1 = arith.cmpi ne, %convert_element_type3A, %cond3A : i32
    scf.if %cond3A_1 {
      %get3A_14 = arith.constant 0 : index
      %get3A_15 = arith.constant 0 : index
      %get3A_16 = vector.load %arg1[%get3A_14, %get3A_15] : memref<256x4xf32, #tpu.memory_space<vmem>>, vector<256x4xf32>
      %get3A_17 = arith.constant 0 : index
      %get3A_18 = arith.constant 0 : index
      %get3A_19 = vector.load %arg3[%get3A_17, %get3A_18] : memref<10000x256xf32, #tpu.memory_space<vmem>>, vector<10000x256xf32>
      %dot_general3A_20 = arith.constant dense<0.000000e+00> : vector<4x10000xf32>
      %dot_general3A_21 = tpu.matmul %get3A_16, %get3A_19, %dot_general3A_20 {dimension_numbers = #tpu.dot_dimension_numbers<[0], [1], [1], [0], [0, 1, 1, 0], [], []>, transpose_lhs_hint = false} : vector<256x4xf32>, vector<10000x256xf32>, vector<4x10000xf32> -> vector<4x10000xf32>
      %get3A_22 = arith.constant 0 : index
      %get3A_23 = arith.constant 0 : index
      %get3A_24 = vector.load %arg2[%get3A_22, %get3A_23] : memref<4x1xf32, #tpu.memory_space<vmem>>, vector<4x1xf32>
      %add3A_25 = vector.broadcast %get3A_24 : vector<4x1xf32> to vector<4x10000xf32>
      %add3A_26 = arith.addf %dot_general3A_21, %add3A_25 : vector<4x10000xf32>
      %swap3A_27 = arith.constant 0 : index
      %swap3A_28 = arith.constant 0 : index
      %swap3A_29 = vector.load %arg7[%swap3A_27, %swap3A_28] : memref<4x10000xf32, #tpu.memory_space<vmem>>, vector<4x10000xf32>
      tpu.vector_store %arg7[%swap3A_27, %swap3A_28], %add3A_26 {strides = array<i32>} : memref<4x10000xf32, #tpu.memory_space<vmem>>, vector<4x10000xf32>,
    } else {
    }
    %get3A = arith.constant 0 : index
    %get3A_2 = arith.constant 0 : index
    %get3A_3 = vector.load %arg4[%get3A, %get3A_2] : memref<2x16xf32, #tpu.memory_space<vmem>>, vector<2x16xf32>
    %get3A_4 = arith.constant 0 : index
    %get3A_5 = arith.constant 0 : index
    %get3A_6 = vector.load %arg6[%get3A_4, %get3A_5] : memref<16x16384xf32, #tpu.memory_space<vmem>>, vector<16x16384xf32>
    %dot_general3A = arith.constant dense<0.000000e+00> : vector<2x16384xf32>
    %dot_general3A_7 = tpu.matmul %get3A_3, %get3A_6, %dot_general3A {dimension_numbers = #tpu.dot_dimension_numbers<[1], [0], [0], [1], [0, 0, 1, 1], [], []>, transpose_lhs_hint = false} : vector<2x16xf32>, vector<16x16384xf32>, vector<2x16384xf32> -> vector<2x16384xf32>
    %get3A_8 = arith.constant 0 : index
    %get3A_9 = arith.constant 0 : index
    %get3A_10 = vector.load %arg5[%get3A_8, %get3A_9] : memref<2x1xf32, #tpu.memory_space<vmem>>, vector<2x1xf32>
    %add3A = vector.broadcast %get3A_10 : vector<2x1xf32> to vector<2x16384xf32>
    %add3A_11 = arith.addf %dot_general3A_7, %add3A : vector<2x16384xf32>
    %swap3A = arith.constant 0 : index
    %swap3A_12 = arith.constant 0 : index
    %swap3A_13 = vector.load %arg8[%swap3A, %swap3A_12] : memref<2x16384xf32, #tpu.memory_space<vmem>>, vector<2x16384xf32>
    tpu.vector_store %arg8[%swap3A, %swap3A_12], %add3A_11 {strides = array<i32>} : memref<2x16384xf32, #tpu.memory_space<vmem>>, vector<2x16384xf32>,
    return
  }
  func.func @transform_0(%arg0: i32) -> (i32, i32) {
    %c0_i32 = arith.constant 0 : i32
    %c0_i32_0 = arith.constant 0 : i32
    %c0_i32_1 = arith.constant 0 : i32
    return %c0_i32, %c0_i32_0 : i32, i32
  }
  func.func @transform_1(%arg0: i32) -> (i32, i32) {
    %c0_i32 = arith.constant 0 : i32
    %c0_i32_0 = arith.constant 0 : i32
    %c0_i32_1 = arith.constant 0 : i32
    return %c0_i32, %c0_i32_0 : i32, i32
  }
  func.func @transform_2(%arg0: i32) -> (i32, i32) {
    %c0_i32 = arith.constant 0 : i32
    %c0_i32_0 = arith.constant 0 : i32
    %c0_i32_1 = arith.constant 0 : i32
    return %c0_i32, %c0_i32_0 : i32, i32
  }
  func.func @transform_3(%arg0: i32) -> (i32, i32) {
    %c0_i32 = arith.constant 0 : i32
    %c0_i32_0 = arith.constant 0 : i32
    %c0_i32_1 = arith.constant 0 : i32
    return %c0_i32, %c0_i32_0 : i32, i32
  }
  func.func @transform_4(%arg0: i32) -> (i32, i32) {
    %c0_i32 = arith.constant 0 : i32
    %c0_i32_0 = arith.constant 0 : i32
    %c0_i32_1 = arith.constant 0 : i32
    return %c0_i32, %c0_i32_0 : i32, i32
  }
  func.func @transform_5(%arg0: i32) -> (i32, i32) {
    %c0_i32 = arith.constant 0 : i32
    %c0_i32_0 = arith.constant 0 : i32
    return %c0_i32, %arg0 : i32, i32
  }
  func.func @transform_6(%arg0: i32) -> (i32, i32) {
    %c0_i32 = arith.constant 0 : i32
    %c0_i32_0 = arith.constant 0 : i32
    %c0_i32_1 = arith.constant 0 : i32
    return %c0_i32, %c0_i32_0 : i32, i32
  }
  func.func @transform_7(%arg0: i32) -> (i32, i32) {
    %c0_i32 = arith.constant 0 : i32
    %c0_i32_0 = arith.constant 0 : i32
    return %c0_i32, %arg0 : i32, i32
  }
}

module attributes {stable_mosaic.version = 14 : i64} {
  func.func @_finish_body(%arg0: memref<40000xf32, #tpu.memory_space<vmem>>, %arg1: memref<2x2x10240xf32, #tpu.memory_space<vmem>>, %arg2: memref<2x10000xf32, #tpu.memory_space<vmem>>) attributes {dimension_semantics = [], scalar_prefetch = 0 : i64, scratch_operands = 0 : i64, tpu.core_type = #tpu.core_type<tc>} {
    %get3A = arith.constant 0 : index
    %get3A_0 = arith.constant 0 : index
    %get3A_1 = arith.constant 0 : index
    %get3A_2 = vector.load %arg1[%get3A, %get3A_0, %get3A_1] : memref<2x2x10240xf32, #tpu.memory_space<vmem>>, vector<2x2x10240xf32>
    %get3A_3 = arith.constant 0 : index
    %get3A_4 = vector.load %arg0[%get3A_3] : memref<40000xf32, #tpu.memory_space<vmem>>, vector<10000xf32>
    %slice3A = vector.extract_strided_slice %get3A_2 {offsets = [0, 0, 0], sizes = [1, 1, 10000], strides = [1, 1, 1]} : vector<2x2x10240xf32> to vector<1x1x10000xf32>
    %squeeze3A = vector.shape_cast %slice3A : vector<1x1x10000xf32> to vector<10000xf32>
    %add3A = arith.addf %get3A_4, %squeeze3A : vector<10000xf32>
    %slice3A_5 = vector.extract_strided_slice %get3A_2 {offsets = [1, 0, 0], sizes = [1, 1, 10000], strides = [1, 1, 1]} : vector<2x2x10240xf32> to vector<1x1x10000xf32>
    %squeeze3A_6 = vector.shape_cast %slice3A_5 : vector<1x1x10000xf32> to vector<10000xf32>
    %add3A_7 = arith.addf %add3A, %squeeze3A_6 : vector<10000xf32>
    %get3A_8 = arith.constant 10000 : index
    %get3A_9 = vector.load %arg0[%get3A_8] : memref<40000xf32, #tpu.memory_space<vmem>>, vector<10000xf32>
    %slice3A_10 = vector.extract_strided_slice %get3A_2 {offsets = [0, 1, 0], sizes = [1, 1, 10000], strides = [1, 1, 1]} : vector<2x2x10240xf32> to vector<1x1x10000xf32>
    %squeeze3A_11 = vector.shape_cast %slice3A_10 : vector<1x1x10000xf32> to vector<10000xf32>
    %add3A_12 = arith.addf %get3A_9, %squeeze3A_11 : vector<10000xf32>
    %slice3A_13 = vector.extract_strided_slice %get3A_2 {offsets = [1, 1, 0], sizes = [1, 1, 10000], strides = [1, 1, 1]} : vector<2x2x10240xf32> to vector<1x1x10000xf32>
    %squeeze3A_14 = vector.shape_cast %slice3A_13 : vector<1x1x10000xf32> to vector<10000xf32>
    %add3A_15 = arith.addf %add3A_12, %squeeze3A_14 : vector<10000xf32>
    %max3A = arith.maximumf %add3A_7, %add3A_15 : vector<10000xf32>
    %sub3A = arith.subf %add3A_7, %max3A : vector<10000xf32>
    %exp3A = math.exp %sub3A : vector<10000xf32>
    %sub3A_16 = arith.subf %add3A_15, %max3A : vector<10000xf32>
    %exp3A_17 = math.exp %sub3A_16 : vector<10000xf32>
    %add3A_18 = arith.addf %exp3A, %exp3A_17 : vector<10000xf32>
    %log3A = math.log %add3A_18 : vector<10000xf32>
    %add3A_19 = arith.addf %max3A, %log3A : vector<10000xf32>
    %sub3A_20 = arith.subf %add3A_7, %add3A_19 : vector<10000xf32>
    %swap3A = arith.constant 0 : index
    %swap3A_21 = arith.constant 0 : index
    %swap3A_22 = vector.load %arg2[%swap3A, %swap3A_21] : memref<2x10000xf32, #tpu.memory_space<vmem>>, vector<1x10000xf32>
    %swap3A_23 = vector.shape_cast %swap3A_22 : vector<1x10000xf32> to vector<10000xf32>
    %swap3A_24 = vector.shape_cast %sub3A_20 : vector<10000xf32> to vector<1x10000xf32>
    tpu.vector_store %arg2[%swap3A, %swap3A_21], %swap3A_24 {strides = array<i32>} : memref<2x10000xf32, #tpu.memory_space<vmem>>, vector<1x10000xf32>,
    %sub3A_25 = arith.subf %add3A_15, %add3A_19 : vector<10000xf32>
    %swap3A_26 = arith.constant 1 : index
    %swap3A_27 = arith.constant 0 : index
    %swap3A_28 = vector.load %arg2[%swap3A_26, %swap3A_27] : memref<2x10000xf32, #tpu.memory_space<vmem>>, vector<1x10000xf32>
    %swap3A_29 = vector.shape_cast %swap3A_28 : vector<1x10000xf32> to vector<10000xf32>
    %swap3A_30 = vector.shape_cast %sub3A_25 : vector<10000xf32> to vector<1x10000xf32>
    tpu.vector_store %arg2[%swap3A_26, %swap3A_27], %swap3A_30 {strides = array<i32>} : memref<2x10000xf32, #tpu.memory_space<vmem>>, vector<1x10000xf32>,
    return
  }
}

</mosaic_0001>

<sc_bundles>
// kernel: kernel.5.cloned.1.call-start
scs
__scs_entry_jumppad:
0x0: {  	(pc) =	sbr.rel $0x88, $3  }
0x1: {  	(tag) =	ssettag $0x0;
	lr =	simm.s32 $0x1  }
0x2: {  	[smem:$0x3F9A] =	sst lr;
	_ =	strace $0xD0000000  }
0x3: {  	_ = 	snop  }
0x4: {  	_ = 	snop  }
0x5: {  	_ = 	snop  }
0x6: {  	_ = 	snop  }
0x7: {  	_ = 	snop  }
__scs_overlays_trampoline_lowered:
0x8: {  	[smem:$0x3FA9] =	sst s0  }
0x9: {  	[smem:$0x3FAA] =	sst s1  }
0xa: {  	[smem:$0x3FAB] =	sst s2  }
0xb: {  	[smem:$0x3FAC] =	sst s3  }
0xc: {  	[smem:$0x3FAD] =	sst s4  }
0xd: {  	[smem:$0x3FAE] =	sst s5  }
0xe: {  	[smem:$0x3FAF] =	sst s6  }
0xf: {  	[smem:$0x3FB0] =	sst s7  }
0x10: {  	[smem:$0x3FB1] =	sst s8  }
0x11: {  	[smem:$0x3FB2] =	sst s9;
	s0 =	simm.s32 @!p0 $0x0  }
0x12: {  	s1 =	sld [smem:$0x3F98];
	s0 =	simm.s32 @p0 $0x1  }
0x13: {  	[smem:$0x3FB3] =	sst s0;
	s0 =	simm.s32 @!p1 $0x0  }
0x14: {  	s2 =	sld [smem:$0x3F97];
	s0 =	simm.s32 @p1 $0x1  }
0x15: {  	[smem:$0x3FB4] =	sst s0;
	s0 =	simm.s32 @!p2 $0x0  }
0x16: {  	s3 =	sld [smem:$0x3FDB];
	s0 =	simm.s32 @p2 $0x1  }
0x17: {  	s4 =	simm.s32 $0x1BF5;
	[smem:$0x3FB6] =	sst s0  }
0x18: {  	s0 =	sld [smem:$0x3F99];
	_ =	swait.ge [sflag:s4], $0x0  }
0x19: {  	s7 =	sld [smem:$0x3F9A]  }
0x1a: {  	s8 =	sadd.s32 $0xFFFFE003, lr  }
0x1b: {  	s9 =	sadd.s32 $0xFFFFFEF7, lr;
	s5 =	simm.s32 $0xFFFFFFFF;
	p2 =	slt.u32 s8, $0xFFFFF086  }
0x1c: {  	p1 =	slt.u32 s9, $0xF7A;
	s5 =	simm.s32 @!p2 $0x0  }
0x1d: {  	s5 =	simm.s32 @p1 $0x1;
	p0 =	seq.s32 s7, s2  }
0x1e: {  	s7 =	smul.u32 @!p0 $0xF7A, s2;
	p2 =	seq.s32 @!p0 s5, $0x0  }
0x1f: {  	s9 =	smul.u32 $0xF7A, s1;
	s8 =	simm.s32 @!p0 $0x1BF5;
	p2 =	por !p2, p0  }
0x20: {  	[sflag:s8] =	ssyncset.s32 @!p0 $0xFFFFF086;
	s6 =	sadd.s32 @!p0 s3, s7;
	s7 =	simm.s32 @!p0 $0x108  }
0x21: {  	s3 =	sadd.s32 s3, s9;
	s6 =	sadd.s32 @!p0 $0x88, s6;
	s7 =	simm.s32 @p2 $0x1082  }
0x22: {  	[simem:s7], [sflag:s8] =	dma.local @!p0 [hbm:s6], $0xF7A  }
0x23: {  	s9 =	sor.u32 $0xD0000000, s2;
	s6 =	simm.s32 $0x108;
	_ =	swait.ge @!p0 [sflag:s8], $0x0  }
0x24: {  	s3 =	sadd.s32 $0x88, s3;
	s6 =	simm.s32 @!p1 $0x1082;
	[sflag:s4] =	ssyncset.s32 $0xFFFFF086  }
0x25: {  	[simem:s6], [sflag:s4] =	dma.local [hbm:s3], $0xF7A  }
0x26: {  	[smem:$0x3F9A] =	sst s1;
	(tag) =	ssettag s2;
	_ =	strace s9  }
0x27: {  	s1 =	sld [smem:$0x3FAA]  }
0x28: {  	s2 =	sld [smem:$0x3FAB]  }
0x29: {  	s4 =	sld [smem:$0x3FAD]  }
0x2a: {  	p0 =	seq.s32 s5, $0x0;
	s5 =	sld [smem:$0x3FAE]  }
0x2b: {  	s6 =	sld [smem:$0x3FAF]  }
0x2c: {  	s7 =	sld [smem:$0x3FB0]  }
0x2d: {  	s3 =	simm.s32 $0x108;
	s8 =	sld [smem:$0x3FB1]  }
0x2e: {  	s3 =	simm.s32 @!p0 $0x1082;
	s9 =	sld [smem:$0x3FB2]  }
0x2f: {  	lr =	sadd.s32 s0, s3;
	s0 =	sld [smem:$0x3FA9]  }
0x30: {  	s3 =	sld [smem:$0x3FAC]  }
0x31: {  	[smem:$0x3FB5] =	sst s10  }
0x32: {  	s10 =	sld [smem:$0x3FB3];
	_ =	sdelay $0x3  }
0x33: {  	p0 =	seq.s32 s10, $0x1;
	s10 =	sld [smem:$0x3FB5];
	_ =	sdelay $0x3  }
0x34: {  	[smem:$0x3FB5] =	sst s10  }
0x35: {  	s10 =	sld [smem:$0x3FB4];
	_ =	sdelay $0x3  }
0x36: {  	p1 =	seq.s32 s10, $0x1;
	s10 =	sld [smem:$0x3FB5];
	_ =	sdelay $0x3  }
0x37: {  	[smem:$0x3FB5] =	sst s10  }
0x38: {  	s10 =	sld [smem:$0x3FB6]  }
0x39: {  	_ = 	snop;
	(pc) =	sbr.ind lr, $3  }
0x3a: {  	_ = 	snop  }
0x3b: {  	_ = 	snop  }
0x3c: {  	p2 =	seq.s32 s10, $0x1;
	s10 =	sld [smem:$0x3FB5]  }
0x3d: {  	_ =	shalt  }
0x3e: {  	_ =	shalt  }
0x3f: {  	_ =	shalt  }
0x40: {  	_ =	shalt  }
0x41: {  	_ =	shalt  }
0x42: {  	_ =	shalt  }
0x43: {  	_ =	shalt  }
0x44: {  	_ =	shalt  }
0x45: {  	_ =	shalt  }
0x46: {  	_ =	shalt  }
0x47: {  	_ =	shalt  }
0x48: {  	_ =	shalt  }
0x49: {  	_ =	shalt  }
0x4a: {  	_ =	shalt  }
0x4b: {  	_ =	shalt  }
0x4c: {  	_ =	shalt  }
0x4d: {  	_ =	shalt  }
0x4e: {  	_ =	shalt  }
0x4f: {  	_ =	shalt  }
0x50: {  	_ =	shalt  }
0x51: {  	_ =	shalt  }
0x52: {  	_ =	shalt  }
0x53: {  	_ =	shalt  }
0x54: {  	_ =	shalt  }
0x55: {  	_ =	shalt  }
0x56: {  	_ =	shalt  }
0x57: {  	_ =	shalt  }
0x58: {  	_ =	shalt  }
0x59: {  	_ =	shalt  }
0x5a: {  	_ =	shalt  }
0x5b: {  	_ =	shalt  }
0x5c: {  	_ =	shalt  }
0x5d: {  	_ =	shalt  }
0x5e: {  	_ =	shalt  }
0x5f: {  	_ =	shalt  }
0x60: {  	_ =	shalt  }
0x61: {  	_ =	shalt  }
0x62: {  	_ =	shalt  }
0x63: {  	_ =	shalt  }
0x64: {  	_ =	shalt  }
0x65: {  	_ =	shalt  }
0x66: {  	_ =	shalt  }
0x67: {  	_ =	shalt  }
0x68: {  	_ =	shalt  }
0x69: {  	_ =	shalt  }
0x6a: {  	_ =	shalt  }
0x6b: {  	_ =	shalt  }
0x6c: {  	_ =	shalt  }
0x6d: {  	_ =	shalt  }
0x6e: {  	_ =	shalt  }
0x6f: {  	_ =	shalt  }
0x70: {  	_ =	shalt  }
0x71: {  	_ =	shalt  }
0x72: {  	_ =	shalt  }
0x73: {  	_ =	shalt  }
0x74: {  	_ =	shalt  }
0x75: {  	_ =	shalt  }
0x76: {  	_ =	shalt  }
0x77: {  	_ =	shalt  }
0x78: {  	_ =	shalt  }
0x79: {  	_ =	shalt  }
0x7a: {  	_ =	shalt  }
0x7b: {  	_ =	shalt  }
0x7c: {  	_ =	shalt  }
0x7d: {  	_ =	shalt  }
0x7e: {  	_ =	shalt  }
0x7f: {  	_ =	shalt  }
0x80: {  	_ =	shalt  }
0x81: {  	_ =	shalt  }
0x82: {  	_ =	shalt  }
0x83: {  	_ =	shalt  }
0x84: {  	_ =	shalt  }
0x85: {  	_ =	shalt  }
0x86: {  	_ =	shalt  }
0x87: {  	_ =	shalt  }
.Lfunc_end0:
.L_simem_size_0:
called_computation_lowered:
.L_overlay_start_0:
0x88: {  	s2 =	sld [smem:$0x3FD9]  }
0x89: {  	s3 =	sld [smem:$0x3FFE];
	_ =	sdelay $0x1  }
0x8a: {  	s1 =	srdreg.scid  }
0x8b: {  	s0 =	sand.u32 $0x1, s1  }
0x8c: {  	s17 =	sshll.u32 s0, $0xA;
	s2 =	sadd.s32 s3, s2  }
0x8d: {  	s2 =	sadd.s32 s2, s17  }
0x8e: {  	[smem:$0x3FC1] =	sst s2  }
0x8f: {  	_ = 	snop  }
0x90: {  	s2 =	sld [smem:$0x3FD0];
	(tm) =	ssettm $0x1  }
0x91: {  	s18 =	sld [smem:$0x3FFB];
	_ =	sdelay $0x3  }
0x92: {  	_ =	strace s18  }
0x93: {  	s3 =	sld [smem:$0x3FFC];
	_ =	sdelay $0x3  }
0x94: {  	_ =	strace s3  }
0x95: {  	s3 =	sld [smem:$0x3FFD];
	_ =	sdelay $0x3  }
0x96: {  	_ =	strace s3  }
0x97: {  	_ =	strace $0x8FFFFFFF  }
0x98: {  	s19 =	sld [smem:$0x3FDB];
	_ =	sdelay $0x1  }
0x99: {  	s4 =	simm.s32 $_scs_section_size  }
0x9a: {  	s5 =	simm.s32 $_size__tile_overlayer_lowered;
	s6 =	simm.s32 $_tile_overlayer_lowered  }
0x9b: {  	s22 =	simm.s32 $0x1BFF;
	s21 =	sshll.u32 s6, $0x1;
	s3 =	sadd.s32 s4, s19  }
0x9c: {  	s7 =	simm.s32 $0x0;
	s20 =	sshll.u32 s5, $0x1;
	s5 =	sadd.s32 s21, s3  }
0x9d: {  	[timem:s7], [sflag:s22] =	dma.local [hbm:s5], s20  }
0x9e: {  	_ =	swait.ge [sflag:s22], s20  }
0x9f: {  	s4 =	ssub.s32 $0x0, s20;
	[sflag:s22] =	ssyncset.done $0x0  }
0xa0: {  	[sflag:s22] =	ssyncadd.s32 s4;
	_ =	sdelay $0x1  }
0xa1: {  	s23 =	simm.s32 $0x1B8B  }
0xa2: {  	_ =	swait.ge [sflag:s23], $0x1  }
0xa3: {  	[sflag:s23] =	ssyncset.done $0x0  }
0xa4: {  	s25 =	simm.s32 $0x1B8E;
	s24 =	sld [smem:$0x3FFE];
	[sflag:s23] =	ssyncadd.s32 $0xFFFFFFFF  }
0xa5: {  	s26 =	simm.s32 $execute0_lowered;
	[smem:$0x3FD2] =	sst s25  }
0xa6: {  	s5 =	sshll.u32 s26, $0x1;
	_ =	strace $0x80000046;
	[dreg:$0x1] =	wrdreg $0xFFFFFFFF  }
0xa7: {  	s28 =	simm.s32 $_size_execute0_lowered;
	s3 =	sadd.s32 s3, s5;
	[dreg:$0x0] =	wrdreg $0x0  }
0xa8: {  	s5 =	sshll.u32 s28, $0x1;
	[dreg:$0x2] =	wrdreg s3  }
0xa9: {  	[dreg:$0x3] =	wrdreg s5  }
0xaa: {  	[dreg:$0x4] =	wrdreg $0xC0  }
0xab: {  	_ =	task [dreg:s7], $0x5FFFF  }
0xac: {  	[dreg:$0x1] =	wrdreg $0xFFFFFFFF  }
0xad: {  	[dreg:$0x0] =	wrdreg $0x60  }
0xae: {  	[dreg:$0x2] =	wrdreg s24  }
0xaf: {  	[dreg:$0x3] =	wrdreg s2  }
0xb0: {  	[dreg:$0x4] =	wrdreg $0xA0000  }
0xb1: {  	[dreg:$0x5] =	wrdreg $0xA2800  }
0xb2: {  	[dreg:$0x6] =	wrdreg $0x9  }
0xb3: {  	_ =	task.clear_ibuf [dreg:s7], $0x7FFFF;
	_ =	strace $0x90000046  }
0xb4: {  	s29 =	simm.s32 $0x9;
	_ =	strace $0x80000048  }
0xb5: {  	_ =	swait.ge [sflag:s29], $0x1  }
0xb6: {  	[sflag:s29] =	ssyncadd.s32 $0xFFFFFFFF  }
0xb7: {  	_ =	strace $0x90000048  }
0xb8: {  	_ =	sfence  }
0xb9: {  	s30 =	sld [smem:$0x0];
	_ =	sdelay $0x2  }
0xba: {  	s31 =	sshll.u32 s1, $0xD;
	s1 =	sshrl.u32 s1, $0x2  }
0xbb: {  	s3 =	sand.u32 $0x4000, s31;
	s1 =	sadd.s32 s1, s30  }
0xbc: {  	s0 =	sor.u32 s3, s0;
	s1 =	sshll.u32 s1, $0x11  }
0xbd: {  	s0 =	sor.u32 s1, s0  }
0xbe: {  	s0 =	sadd.s32 $0x8F2B, s0  }
0xbf: {  	[sflag:s0] =	ssyncadd.remote.s32 $0x1  }
0xc0: {  	_ =	sfence.sel $0xFFFF  }
0xc1: {  	[dreg:$0x0] =	wrdreg $0xFFFFFFFF;
	(pc) =	sbr.abs _section_cstart, $3  }
0xc2: {  	[dreg:$0x1] =	wrdreg $0xFFFFFFFF  }
0xc3: {  	_ =	task.clear_ibuf [dreg:s7], $0x2FFFF;
	_ =	strace $0x9FFFFFFF  }
0xc4: {  	(tm) =	ssettm $0x7FFFFFFF  }
0xc5: {  	_ =	shalt  }
tec
execute0_lowered:
.L_overlay_start_1:
0x0: {  	(tag) =	ssettag $0x1  }
0x1: {  	s1 =	rddreg [dreg:$0x0]  }
0x2: {  	s0 =	srdreg.scid;
	s6 =	rddreg [dreg:$0x1]  }
0x3: {  	s10 =	stileid.u32;
	s2 =	rddreg [dreg:$0x2];
	s4 =	simm.s32 $0x0  }
0x4: {  	s22 =	simm.s32 $0x80;
	s28 =	simm.s32 $0x2;
	s29 =	simm.s32 $0x20  }
0x5: {  	s30 =	simm.s32 $0x10;
	s31 =	simm.s32 $0x3;
	s9 =	smul.u32 $0x500, s10  }
0x6: {  	s0 =	sand.u32 $0x1, s0;
	[smem:$0x7FF] =	sst s4;
	s25 =	smul.u32 $0x280, s10  }
0x7: {  	s3 =	sshll.u32 s0, $0x4;
	s8 =	smul.u32 $0x5000, s0;
	s0 =	ssub.s32 $0x2, s0  }
0x8: {  	s5 =	sor.u32 s10, s3;
	s3 =	rddreg [dreg:$0x3];
	_ =	strace $0x80000047  }
0x9: {  	s24 =	sshrl.u32 s0, $0x1;
	s17 =	sadd.s32 s25, s2;
	s7 =	smul.u32 $0x1400, s5  }
0xa: {  	s26 =	sshrl.u32 s25, $0x3;
	s5 =	smul.u32 $0x500, s5;
	s23 =	sadd.s32 s9, s8  }
0xb: {  	s0 =	ssub.s32 s0, s24;
	s6 =	sadd.s32 s6, s26;
	s18 =	sadd.s32 s25, s3  }
0xc: {  	s8 =	sadd.s32 $0x159C4, s1;
	s9 =	sadd.s32 $0x15EA6, s1;
	s17 =	sshrl.u32 s17, $0x3  }
0xd: {  	s26 =	simm.s32 $0x1;
	s16 =	smax.u32 s0, $0x1;
	s18 =	sshrl.u32 s18, $0x3  }
0xe: {  	s7 =	sshrl.u32 s7, $0x3;
	s13 =	sadd.s32 s5, s1;
	s5 =	sshll.u32 s10, $0x6  }
0xf: {  	s11 =	sadd.s32 s7, s1;
	s7 =	sshrl.u32 s23, $0x3;
	s12 =	sadd.s32 $0xB000, s13  }
0x10: {  	s13 =	sadd.s32 $0xB010, s13;
	s23 =	simm.s32 $0x100;
	s15 =	sadd.s32 s7, s1  }
0x11: {  	s7 =	sor.u32 $0x1C01, s5;
	s10 =	sadd.s32 $0x1000, s11;
	s11 =	sadd.s32 $0x6000, s11  }
0x12: {  	s1 =	simm.s32 $0x0;
	s14 =	sadd.s32 $0x16400, s15;
	s15 =	sadd.s32 $0x16410, s15  }
.LBB2_1:
0x13: {  	[spmem:s17], [sflag:s7] =	dma.local [hbm:s6], $0x50  }
0x14: {  	[spmem:s18], [sflag:s7] =	dma.local [hbm:s6], $0x50  }
0x15: {  	[tilespmem:s4], [sflag:$0x1] =	stream.linear.gather [hbm4b:s8+s4], $0x2710, $0x38;
	[tilespmem:$0xA500] =	vst v63  }
0x16: {  	s0 =	simm.s32 $0x2800  }
0x17: {  	[tilespmem:s0], [sflag:$0x1] =	stream.linear.gather [hbm4b:s9+s4], $0x2710, $0x38;
	[tilespmem:$0xA500] =	vst v63  }
0x18: {  	s20 =	simm.s32 $0x5000  }
0x19: {  	[tilespmem:s20], [sflag:$0x1] =	stream.linear.gather [hbm4b:s10+s4], $0x1400, $0x38;
	[tilespmem:$0xA500] =	vst v63  }
0x1a: {  	s21 =	simm.s32 $0x6400  }
0x1b: {  	[tilespmem:s21], [sflag:$0x1] =	stream.linear.gather [hbm4b:s11+s4], $0x1400, $0x38;
	[tilespmem:$0xA500] =	vst v63  }
0x1c: {  	s24 =	simm.s32 $0x7800  }
0x1d: {  	[tilespmem:s24], [sflag:$0x1] =	stream.strided.gather [hbm4b:s12+s22], $0x1400, s23, s22, $0x38;
	[tilespmem:$0xA500] =	vst v63  }
0x1e: {  	s25 =	simm.s32 $0x8C00  }
0x1f: {  	[tilespmem:s25], [sflag:$0x1] =	stream.strided.gather [hbm4b:s13+s22], $0x1400, s23, s22, $0x38;
	[tilespmem:$0xA500] =	vst v63  }
0x20: {  	_ =	swait.ge [sflag:s26], $0x50  }
0x21: {  	[sflag:s26] =	ssyncset.done $0x0  }
0x22: {  	[sflag:s26] =	ssyncadd.s32 $0xFFFFFFB0  }
0x23: {  	_ =	swait.ge [sflag:s26], $0x50  }
0x24: {  	[sflag:s26] =	ssyncset.done $0x0  }
0x25: {  	[sflag:s26] =	ssyncadd.s32 $0xFFFFFFB0  }
0x26: {  	_ =	swait.ge [sflag:s26], $0x2710  }
0x27: {  	[sflag:s26] =	ssyncset.done $0x0  }
0x28: {  	[sflag:s26] =	ssyncadd.s32 $0xFFFFD8F0  }
0x29: {  	_ =	swait.ge [sflag:s26], $0x2710  }
0x2a: {  	[sflag:s26] =	ssyncset.done $0x0  }
0x2b: {  	[sflag:s26] =	ssyncadd.s32 $0xFFFFD8F0  }
0x2c: {  	_ =	swait.ge [sflag:s26], $0x1400  }
0x2d: {  	[sflag:s26] =	ssyncset.done $0x0  }
0x2e: {  	[sflag:s26] =	ssyncadd.s32 $0xFFFFEC00  }
0x2f: {  	_ =	swait.ge [sflag:s26], $0x1400  }
0x30: {  	[sflag:s26] =	ssyncset.done $0x0  }
0x31: {  	[sflag:s26] =	ssyncadd.s32 $0xFFFFEC00  }
0x32: {  	_ =	swait.ge [sflag:s26], $0x1400  }
0x33: {  	[sflag:s26] =	ssyncset.done $0x0  }
0x34: {  	[sflag:s26] =	ssyncadd.s32 $0xFFFFEC00  }
0x35: {  	_ =	swait.ge [sflag:s26], $0x1400  }
0x36: {  	[sflag:s26] =	ssyncset.done $0x0  }
0x37: {  	[sflag:s26] =	ssyncadd.s32 $0xFFFFEC00  }
0x38: {  	s0 =	simm.s32 $0x0;
	[bflag:$0x0] =	sbarrier.arrive $0xFFFF  }
0x39: {  	v0 =	vld [tilespmem:s0+$0x5000];
	_ =	sdelay $0x4  }
0x3a: {  	v1 =	vadd.s32 $0x2800, v0  }
0x3b: {  	v2 =	vld [tilespmem:s0+$0x7800]  }
0x3c: {  	v3 =	vld [tilespmem:s0+$0x5010]  }
0x3d: {  	v4 =	vld [tilespmem:s0+$0x8C00]  }
0x3e: {  	v0 =	vld.idx.msk [tilespmem:v0+s4+$0x0], $0xffff  }
0x3f: {  	v1 =	vld.idx.msk [tilespmem:v1+s4+$0x0], $0xffff;
	_ =	sdelay $0x3  }
0x40: {  	v5 =	vadd.s32 $0x2800, v3;
	v0 =	vadd.f32 v2, v0  }
0x41: {  	v2 =	vld [tilespmem:s0+$0x8C10];
	v1 =	vadd.f32 v4, v1  }
0x42: {  	[tilespmem:s0+$0x7800] =	vst v0;
	v0 =	vld [tilespmem:s0+$0x7810]  }
0x43: {  	v4 =	vld [tilespmem:s0+$0x5020];
	[tilespmem:s0+$0x8C00] =	vst v1  }
0x44: {  	v1 =	vld.idx.msk [tilespmem:v3+s4+$0x0], $0xffff  }
0x45: {  	v3 =	vld.idx.msk [tilespmem:v5+s4+$0x0], $0xffff;
	_ =	sdelay $0x3  }
0x46: {  	v0 =	vadd.f32 v0, v1  }
0x47: {  	v2 =	vadd.f32 v2, v3  }
0x48: {  	[tilespmem:s0+$0x7810] =	vst v0;
	v0 =	vadd.s32 $0x2800, v4  }
0x49: {  	[tilespmem:s0+$0x8C10] =	vst v2;
	v2 =	vld [tilespmem:s0+$0x7820]  }
0x4a: {  	v4 =	vld.idx.msk [tilespmem:v4+s4+$0x0], $0xffff  }
0x4b: {  	v1 =	vld [tilespmem:s0+$0x5030]  }
0x4c: {  	v3 =	vld [tilespmem:s0+$0x8C20]  }
0x4d: {  	v0 =	vld.idx.msk [tilespmem:v0+s4+$0x0], $0xffff;
	_ =	sdelay $0x1  }
0x4e: {  	v2 =	vadd.f32 v2, v4;
	_ =	sdelay $0x1  }
0x4f: {  	[tilespmem:s0+$0x7820] =	vst v2;
	v2 =	vadd.s32 $0x2800, v1  }
0x50: {  	v4 =	vld [tilespmem:s0+$0x5040];
	v0 =	vadd.f32 v3, v0  }
0x51: {  	v3 =	vld [tilespmem:s0+$0x8C30]  }
0x52: {  	[tilespmem:s0+$0x8C20] =	vst v0;
	v0 =	vld [tilespmem:s0+$0x7830]  }
0x53: {  	v1 =	vld.idx.msk [tilespmem:v1+s4+$0x0], $0xffff  }
0x54: {  	v2 =	vld.idx.msk [tilespmem:v2+s4+$0x0], $0xffff;
	_ =	sdelay $0x3  }
0x55: {  	v5 =	vadd.s32 $0x2800, v4;
	v0 =	vadd.f32 v0, v1  }
0x56: {  	v1 =	vld [tilespmem:s0+$0x8C40];
	v2 =	vadd.f32 v3, v2  }
0x57: {  	[tilespmem:s0+$0x7830] =	vst v0;
	v0 =	vld [tilespmem:s0+$0x7840]  }
0x58: {  	[tilespmem:s0+$0x8C30] =	vst v2;
	v2 =	vld [tilespmem:s0+$0x5050]  }
0x59: {  	v3 =	vld.idx.msk [tilespmem:v4+s4+$0x0], $0xffff  }
0x5a: {  	v4 =	vld.idx.msk [tilespmem:v5+s4+$0x0], $0xffff;
	_ =	sdelay $0x3  }
0x5b: {  	v5 =	vadd.s32 $0x2800, v2;
	v0 =	vadd.f32 v0, v3  }
0x5c: {  	v3 =	vld [tilespmem:s0+$0x8C50];
	v1 =	vadd.f32 v1, v4  }
0x5d: {  	v4 =	vld [tilespmem:s0+$0x7850];
	[tilespmem:s0+$0x7840] =	vst v0  }
0x5e: {  	[tilespmem:s0+$0x8C40] =	vst v1;
	v0 =	vld [tilespmem:s0+$0x5060]  }
0x5f: {  	v1 =	vld.idx.msk [tilespmem:v2+s4+$0x0], $0xffff  }
0x60: {  	v2 =	vld.idx.msk [tilespmem:v5+s4+$0x0], $0xffff;
	_ =	sdelay $0x3  }
0x61: {  	v1 =	vadd.f32 v4, v1;
	v4 =	vadd.s32 $0x2800, v0  }
0x62: {  	v6 =	vld [tilespmem:s0+$0x7860];
	v2 =	vadd.f32 v3, v2  }
0x63: {  	v5 =	vld [tilespmem:s0+$0x8C60];
	[tilespmem:s0+$0x7850] =	vst v1  }
0x64: {  	[tilespmem:s0+$0x8C50] =	vst v2;
	v2 =	vld [tilespmem:s0+$0x5070]  }
0x65: {  	v1 =	vld.idx.msk [tilespmem:v0+s4+$0x0], $0xffff  }
0x66: {  	v3 =	vld.idx.msk [tilespmem:v4+s4+$0x0], $0xffff;
	_ =	sdelay $0x3  }
0x67: {  	v4 =	vadd.s32 $0x2800, v2;
	v6 =	vadd.f32 v6, v1  }
0x68: {  	v3 =	vadd.f32 v5, v3  }
0x69: {  	v0 =	vld [tilespmem:s0+$0x8C70];
	[tilespmem:s0+$0x7860] =	vst v6  }
0x6a: {  	v1 =	vld [tilespmem:s0+$0x7870];
	[tilespmem:s0+$0x8C60] =	vst v3  }
0x6b: {  	v2 =	vld.idx.msk [tilespmem:v2+s4+$0x0], $0xffff  }
0x6c: {  	v3 =	vld.idx.msk [tilespmem:v4+s4+$0x0], $0xffff  }
0x6d: {  	s19 =	simm.s32 $0x200  }
0x6e: {  	s20 =	simm.s32 $0x6400;
	s21 =	simm.s32 $0x7800;
	s24 =	simm.s32 $0x8C00  }
.LBB2_2:
0x6f: {  	p0 =	sne.s32 s19, $0x4E00;
	s25 =	smov.u32 s19;
	s19 =	sadd.s32 $0x200, s19  }
0x70: {  	v1 =	vadd.f32 v1, v2  }
0x71: {  	v0 =	vadd.f32 v0, v3  }
0x72: {  	[tilespmem:s0+$0x7870] =	vst v1  }
0x73: {  	[tilespmem:s0+$0x8C70] =	vst v0  }
0x74: {  	[spmem:s2] =	stream.indirect.scatter.add.f32 [tilespmem:s21], [sflag:$0x2], $0x1, s20, s22, $0xb8;
	[tilespmem:$0xA500] =	vst v63  }
0x75: {  	s0 =	sshra.s32 s25, $0x2  }
0x76: {  	[spmem:s3] =	stream.indirect.scatter.add.f32 [tilespmem:s24], [sflag:$0x2], $0x1, s20, s22, $0xb8;
	[tilespmem:$0xA500] =	vst v63  }
0x77: {  	v0 =	vld [tilespmem:s0+$0x5000];
	_ =	sdelay $0x4  }
0x78: {  	v1 =	vadd.s32 $0x2800, v0;
	_ =	sdelay $0x1  }
0x79: {  	v2 =	vld [tilespmem:s0+$0x7800]  }
0x7a: {  	v3 =	vld [tilespmem:s0+$0x5010]  }
0x7b: {  	v0 =	vld.idx.msk [tilespmem:v0+s4+$0x0], $0xffff  }
0x7c: {  	v1 =	vld.idx.msk [tilespmem:v1+s4+$0x0], $0xffff  }
0x7d: {  	v4 =	vld [tilespmem:s0+$0x8C00];
	_ =	sdelay $0x2  }
0x7e: {  	v5 =	vadd.s32 $0x2800, v3  }
0x7f: {  	v0 =	vadd.f32 v2, v0  }
0x80: {  	v1 =	vadd.f32 v4, v1;
	v2 =	vld [tilespmem:s0+$0x8C10]  }
0x81: {  	[tilespmem:s0+$0x7800] =	vst v0;
	v0 =	vld [tilespmem:s0+$0x7810]  }
0x82: {  	[tilespmem:s0+$0x8C00] =	vst v1;
	v1 =	vld [tilespmem:s0+$0x5020]  }
0x83: {  	v3 =	vld.idx.msk [tilespmem:v3+s4+$0x0], $0xffff  }
0x84: {  	v4 =	vld.idx.msk [tilespmem:v5+s4+$0x0], $0xffff;
	_ =	sdelay $0x3  }
0x85: {  	v5 =	vadd.s32 $0x2800, v1  }
0x86: {  	v0 =	vadd.f32 v0, v3  }
0x87: {  	v2 =	vadd.f32 v2, v4;
	v3 =	vld [tilespmem:s0+$0x5030]  }
0x88: {  	[tilespmem:s0+$0x7810] =	vst v0;
	v0 =	vld [tilespmem:s0+$0x8C20]  }
0x89: {  	[tilespmem:s0+$0x8C10] =	vst v2;
	v2 =	vld [tilespmem:s0+$0x7820]  }
0x8a: {  	v1 =	vld.idx.msk [tilespmem:v1+s4+$0x0], $0xffff  }
0x8b: {  	v4 =	vld.idx.msk [tilespmem:v5+s4+$0x0], $0xffff;
	_ =	sdelay $0x3  }
0x8c: {  	v5 =	vadd.s32 $0x2800, v3  }
0x8d: {  	v1 =	vadd.f32 v2, v1  }
0x8e: {  	v0 =	vadd.f32 v0, v4;
	v2 =	vld [tilespmem:s0+$0x5040]  }
0x8f: {  	[tilespmem:s0+$0x7820] =	vst v1;
	v1 =	vld [tilespmem:s0+$0x8C30]  }
0x90: {  	[tilespmem:s0+$0x8C20] =	vst v0;
	v0 =	vld [tilespmem:s0+$0x7830]  }
0x91: {  	v3 =	vld.idx.msk [tilespmem:v3+s4+$0x0], $0xffff  }
0x92: {  	v4 =	vld.idx.msk [tilespmem:v5+s4+$0x0], $0xffff;
	_ =	sdelay $0x3  }
0x93: {  	v5 =	vadd.s32 $0x2800, v2  }
0x94: {  	v0 =	vadd.f32 v0, v3  }
0x95: {  	v1 =	vadd.f32 v1, v4;
	v3 =	vld [tilespmem:s0+$0x8C40]  }
0x96: {  	[tilespmem:s0+$0x7830] =	vst v0;
	v0 =	vld [tilespmem:s0+$0x7840]  }
0x97: {  	[tilespmem:s0+$0x8C30] =	vst v1;
	v1 =	vld [tilespmem:s0+$0x5050]  }
0x98: {  	v2 =	vld.idx.msk [tilespmem:v2+s4+$0x0], $0xffff  }
0x99: {  	v4 =	vld.idx.msk [tilespmem:v5+s4+$0x0], $0xffff;
	_ =	sdelay $0x3  }
0x9a: {  	v5 =	vadd.s32 $0x2800, v1  }
0x9b: {  	v0 =	vadd.f32 v0, v2;
	v2 =	vld [tilespmem:s0+$0x8C50]  }
0x9c: {  	v3 =	vadd.f32 v3, v4;
	v4 =	vld [tilespmem:s0+$0x7850]  }
0x9d: {  	[tilespmem:s0+$0x7840] =	vst v0  }
0x9e: {  	[tilespmem:s0+$0x8C40] =	vst v3;
	v0 =	vld [tilespmem:s0+$0x5060]  }
0x9f: {  	v1 =	vld.idx.msk [tilespmem:v1+s4+$0x0], $0xffff  }
0xa0: {  	v3 =	vld.idx.msk [tilespmem:v5+s4+$0x0], $0xffff;
	_ =	sdelay $0x3  }
0xa1: {  	v5 =	vadd.s32 $0x2800, v0;
	v6 =	vld [tilespmem:s0+$0x8C60]  }
0xa2: {  	v1 =	vadd.f32 v4, v1;
	v4 =	vld [tilespmem:s0+$0x7860]  }
0xa3: {  	v2 =	vadd.f32 v2, v3  }
0xa4: {  	[tilespmem:s0+$0x7850] =	vst v1  }
0xa5: {  	[tilespmem:s0+$0x8C50] =	vst v2;
	v2 =	vld [tilespmem:s0+$0x5070]  }
0xa6: {  	v3 =	vld.idx.msk [tilespmem:v0+s4+$0x0], $0xffff  }
0xa7: {  	v5 =	vld.idx.msk [tilespmem:v5+s4+$0x0], $0xffff;
	_ =	sdelay $0x2  }
0xa8: {  	v0 =	vld [tilespmem:s0+$0x8C70]  }
0xa9: {  	v7 =	vadd.s32 $0x2800, v2;
	v1 =	vld [tilespmem:s0+$0x7870]  }
0xaa: {  	v3 =	vadd.f32 v4, v3  }
0xab: {  	v4 =	vadd.f32 v6, v5  }
0xac: {  	[tilespmem:s0+$0x7860] =	vst v3  }
0xad: {  	[tilespmem:s0+$0x8C60] =	vst v4  }
.Ltmp0:
0xae: {  	v2 =	vld.idx.msk [tilespmem:v2+s4+$0x0], $0xffff;
	(pc) =	sbr.rel @p0 .LBB2_2-.Ltmp0, $3  }
0xaf: {  	v3 =	vld.idx.msk [tilespmem:v7+s4+$0x0], $0xffff  }
0xb0: {  	s21 =	sadd.s32 $0x7800, s0;
	s20 =	sadd.s32 $0x6400, s0;
	_ =	sdelay $0x1  }
0xb1: {  	s24 =	sadd.s32 $0x8C00, s0  }
0xb2: {  	v1 =	vadd.f32 v1, v2  }
0xb3: {  	v0 =	vadd.f32 v0, v3  }
0xb4: {  	[tilespmem:s0+$0x7870] =	vst v1  }
0xb5: {  	[tilespmem:s0+$0x8C70] =	vst v0  }
0xb6: {  	[spmem:s2] =	stream.indirect.scatter.add.f32 [tilespmem:s21], [sflag:$0x2], $0x1, s20, s22, $0xb8;
	[tilespmem:$0xA500] =	vst v63  }
0xb7: {  	_ = 	snop  }
0xb8: {  	[spmem:s3] =	stream.indirect.scatter.add.f32 [tilespmem:s24], [sflag:$0x2], $0x1, s20, s22, $0xb8;
	[tilespmem:$0xA500] =	vst v63  }
0xb9: {  	_ =	swait.ge [sflag:s28], $0x1400  }
0xba: {  	[sflag:s28] =	ssyncset.done $0x0  }
0xbb: {  	[sflag:s28] =	ssyncadd.s32 $0xFFFFEC00  }
0xbc: {  	_ =	swait.ge [sflag:s28], $0x1400  }
0xbd: {  	[sflag:s28] =	ssyncset.done $0x0  }
0xbe: {  	[sflag:s28] =	ssyncadd.s32 $0xFFFFEC00  }
0xbf: {  	s25 =	sor.u32 $0x1C03, s5;
	[bflag:$0x0] =	sbarrier.arrive $0xFFFF  }
0xc0: {  	[hbm:s14@s29], [sflag:s25] =	dma.strided [spmem:s17@s30], $0x50, s26, $0x10   }
0xc1: {  	s1 =	sadd.s32 $0x1, s1;
	_ =	swait.ge [sflag:s31], $0x50  }
0xc2: {  	p0 =	sne.s32 s1, s16;
	[sflag:s31] =	ssyncset.done $0x0  }
.Ltmp1:
0xc3: {  	[sflag:s31] =	ssyncadd.s32 $0xFFFFFFB0;
	(pc) =	sbr.rel @p0 .LBB2_1-.Ltmp1, $4  }
0xc4: {  	[hbm:s15@s29], [sflag:s25] =	dma.strided [spmem:s18@s30], $0x50, s26, $0x10   }
0xc5: {  	_ =	swait.ge [sflag:s31], $0x50  }
0xc6: {  	[sflag:s31] =	ssyncset.done $0x0  }
0xc7: {  	[sflag:s31] =	ssyncadd.s32 $0xFFFFFFB0  }
0xc8: {  	_ =	sfence.sel $0x180000  }
0xc9: {  	[bflag:$0x0] =	sbarrier.arrive $0xFFFF  }
0xca: {  	_ =	strace $0x90000047  }
0xcb: {  	s0 =	stileid.u32;
	[bflag:$0x2] =	sbarrier.arrive $0xFFFF  }
0xcc: {  	p0 =	sne.s32 s0, $0x0;
	s0 =	rddreg [dreg:$0x4]  }
0xcd: {  	s0 =	sadd.s32 @!p0 $0x100000, s0  }
0xce: {  	[sflag:s0] =	ssyncadd.tile.s32 @!p0 $0x1;
	_ =	shalt  }
.Lfunc_end2:
_tile_overlayer_lowered:
.L_overlay_start_2:
0xcf: {  	(tag) =	ssettag $0x2  }
0xd0: {  	s0 =	rddreg [dreg:$0x0];
	s2 =	stileid.u32  }
0xd1: {  	s1 =	rddreg [dreg:$0x1];
	p0 =	sne.s32 s2, $0x0  }
0xd2: {  	s3 =	rddreg [dreg:$0x2];
	[bflag:$0x3] =	sbarrier.arrive $0xFFFF;
	s2 =	simm.s32 @!p0 $0x1C03  }
0xd3: {  	[timem:s3], [sflag:s2] =	dma.local @!p0 [hbm:s0], s1  }
0xd4: {  	s0 =	simm.s32 @!p0 $0x3  }
0xd5: {  	_ =	swait.ge @!p0 [sflag:s0], s1  }
0xd6: {  	s1 =	ssub.s32 @!p0 $0x0, s1;
	[sflag:s0] =	ssyncset.done @!p0 $0x0  }
0xd7: {  	[sflag:s0] =	ssyncadd.s32 @!p0 s1  }
0xd8: {  	[bflag:$0x3] =	sbarrier.arrive $0xFFFF  }
0xd9: {  	_ =	shalt  }

</sc_bundles>
